<compile_context>
chip_gen: v7x
topology: tpu7x:2x2x1
jax: 0.10.2.dev20260603
libtpu: 0.0.44.dev20260713+nightly
codegen_flags: <defaults>
</compile_context>

<pallas_src>
import functools

import jax
import jax.numpy as jnp
from jax import lax
from jax.experimental import pallas as pl
from jax.experimental.pallas import tpu as pltpu
from jax.experimental.pallas import tpu_sc as plsc


def _gather_kernel(F, CS, Q, num_chunks, NC, NW,
                   idx_hbm, tok_hbm, inter_hbm, idx_v, rows_v,
                   sem_g, sem_out):
    w = lax.axis_index("s") * NC + lax.axis_index("c")
    C = F * CS
    base_cnt = num_chunks // NW
    rem = num_chunks - base_cnt * NW
    start = w * base_cnt + jnp.minimum(w, rem)
    cnt = base_cnt + jnp.where(w < rem, 1, 0)
    n_groups = (cnt + Q - 1) // Q

    def fire_gathers(k, c0f, b):
        for f in range(F):
            pltpu.async_copy(
                tok_hbm.at[idx_v.at[f, pl.ds((k - c0f) * CS, CS)]],
                rows_v.at[pl.ds(b * C + f * CS, CS)], sem_g)

    def drain_gathers(c0f, b):
        for f in range(F):
            pltpu.make_async_copy(
                tok_hbm.at[idx_v.at[f, pl.ds(0, CS)]],
                rows_v.at[pl.ds(b * C + f * CS, CS)], sem_g).wait()

    def fire_out(k, b):
        pltpu.async_copy(rows_v.at[pl.ds(b * C, C)],
                         inter_hbm.at[pl.ds(k * C, C)], sem_out)

    def drain_out(b):
        pltpu.make_async_copy(rows_v.at[pl.ds(b * C, C)],
                              inter_hbm.at[pl.ds(0, C)], sem_out).wait()

    def group_body(g, carry):
        c0 = start + g * Q
        c0f = jnp.minimum(c0, num_chunks - Q)
        pltpu.sync_copy(idx_hbm.at[:, pl.ds(c0f * CS, Q * CS)], idx_v)
        for q in range(Q):
            k = c0 + q

            @pl.when(k < start + cnt)
            def _():
                b = (g * Q + q) & 1
                fire_gathers(k, c0f, b)
                drain_gathers(c0f, b)

                @pl.when(g * Q + q >= 1)
                def _():
                    drain_out(1 - b)

                fire_out(k, b)

        return carry

    lax.fori_loop(0, n_groups, group_body, 0)
    drain_out(0)


def _addpos_kernel(F, D, CS, num_chunks, NC, NW,
                   in_hbm, pos_hbm, out_hbm, rows_v, buf_v, pos_v,
                   sem_in, sem_out):
    w = lax.axis_index("s") * NC + lax.axis_index("c")
    R = F * CS * D // 128
    FD = F * D
    iota_v = lax.broadcasted_iota(jnp.int32, (D,), 0)
    row_c = lax.shift_right_logical(iota_v, 3)
    dvecs = [(iota_v + j) & 15 for j in range(D)]
    lanevs = [(iota_v & 7) * D + dvecs[j] for j in range(D)]
    pltpu.sync_copy(pos_hbm, pos_v)
    n_mine = (num_chunks - 1 - w) // NW + 1

    pltpu.async_copy(in_hbm.at[pl.ds(w * R, R)],
                     rows_v.at[pl.ds(0, R)], sem_in)

    def chunk_body(k, carry):
        b = k & 1
        sb = w + k * NW
        pltpu.make_async_copy(in_hbm.at[pl.ds(0, R)],
                              rows_v.at[pl.ds(b * R, R)], sem_in).wait()

        @pl.when(k + 1 < n_mine)
        def _():
            pltpu.async_copy(in_hbm.at[pl.ds((sb + NW) * R, R)],
                             rows_v.at[pl.ds((1 - b) * R, R)], sem_in)

        @pl.when(k >= 1)
        def _():
            pltpu.make_async_copy(buf_v.at[pl.ds(0, FD)],
                                  out_hbm.at[:, pl.ds(0, CS)],
                                  sem_out).wait()

        rbase = b * R
        bbase = b * FD

        @functools.partial(plsc.parallel_loop, 0, F, unroll=2)
        def f_body(f):
            pv = pos_v[f >> 3, pl.ds((f & 7) * D, D)]
            rowvs = [row_c + (rbase + f * D + 2 * kk)
                     for kk in range(CS // D)]
            fD = bbase + f * D
            for kk in range(CS // D):
                colv = iota_v + (kk * D)
                for j in range(D):
                    vals = plsc.load_gather(rows_v, [rowvs[kk], lanevs[j]])
                    plsc.store_scatter(buf_v, [dvecs[j] + fD, colv],
                                       vals + pv)
        pltpu.async_copy(buf_v.at[pl.ds(bbase, FD)],
                         out_hbm.at[:, pl.ds(sb * CS, CS)], sem_out)
        return carry

    lax.fori_loop(0, n_mine, chunk_body, 0)
    pltpu.make_async_copy(buf_v.at[pl.ds(0, FD)],
                          out_hbm.at[:, pl.ds(0, CS)], sem_out).wait()


def kernel(inputs, token_table, pos_table):
    S, F = inputs.shape
    V, D = token_table.shape
    assert D == 16 and F <= 16
    CS = 128
    num_chunks = S // CS
    s_main = num_chunks * CS
    C = F * CS

    info = plsc.get_sparse_core_info()
    NC, NS = info.num_cores, info.num_subcores
    NW = NC * NS

    pos_block = pos_table[S:, F:]
    pos_flat = jnp.broadcast_to(pos_block, (F, D)).reshape(-1)
    pos2 = jnp.pad(pos_flat, (0, 256 - F * D)).reshape(2, 128)

    idx_t = inputs.T

    mesh = plsc.VectorSubcoreMesh(core_axis_name="c", subcore_axis_name="s")

    Q = 1
    gather_body = functools.partial(_gather_kernel, F, CS, Q, num_chunks,
                                    NC, NW)
    inter = pl.kernel(
        gather_body,
        mesh=mesh,
        compiler_params=pltpu.CompilerParams(use_tc_tiling_on_sc=False,
                                             needs_layout_passes=False),
        out_type=jax.ShapeDtypeStruct((num_chunks * C, D), jnp.float32),
        scratch_types=[
            pltpu.VMEM((F, Q * CS), jnp.int32),
            pltpu.VMEM((2 * C, D), jnp.float32),
            pltpu.SemaphoreType.DMA,
            pltpu.SemaphoreType.DMA,
        ],
    )(idx_t, token_table)

    in128 = inter.reshape(num_chunks * C * D // 128, 128)

    addpos_body = functools.partial(_addpos_kernel, F, D, CS, num_chunks,
                                    NC, NW)
    out_t = pl.kernel(
        addpos_body,
        mesh=mesh,
        compiler_params=pltpu.CompilerParams(needs_layout_passes=False),
        out_type=jax.ShapeDtypeStruct((F * D, S), jnp.float32),
        scratch_types=[
            pltpu.VMEM((2 * C * D // 128, 128), jnp.float32),
            pltpu.VMEM((2 * F * D, CS), jnp.float32),
            pltpu.VMEM((2, 128), jnp.float32),
            pltpu.SemaphoreType.DMA,
            pltpu.SemaphoreType.DMA,
        ],
    )(in128, pos2)

    out = out_t.reshape(F, D, S).transpose(2, 0, 1)
    if s_main < S:
        tail = jnp.take(token_table, inputs[s_main:], axis=0)
        tail = tail + jnp.broadcast_to(pos_block, (F, D))[None]
        out = lax.dynamic_update_slice(out, tail, (s_main, 0, 0))
    return out

# --- scband reference (transcript-rebuilt; emitter-appended) ---
"""Pipeline reference for scband-embedding-layer-63702954934444 (READ-ONLY COPY).

The authoritative reference and input builder live on the scoring server;
editing this copy changes nothing except your own understanding.
"""

import jax, jax.numpy as jnp
import numpy as np

NUM_TOKENS = 100000
TOKEN_FEATURES = 16
S = NUM_TOKENS - (TOKEN_FEATURES - 1)  # 99985
F = TOKEN_FEATURES - 1                  # 15


def setup_inputs(seed: int = 0) -> dict:
    key = jax.random.key(seed)
    k1, k2, k3 = jax.random.split(key, 3)
    inputs = jax.random.randint(k1, (S, F), 0, NUM_TOKENS, dtype=jnp.int32)
    token_table = jax.random.normal(k2, (NUM_TOKENS, TOKEN_FEATURES), dtype=jnp.float32)
    pos_table = jax.random.normal(k3, (NUM_TOKENS, TOKEN_FEATURES), dtype=jnp.float32)
    return {"inputs": inputs, "token_table": token_table, "pos_table": pos_table}


def reference(inputs, token_table, pos_table):
    sentence, features = inputs.shape
    # position = self.position_embedding.weight[sentence:, features:]
    position = pos_table[sentence:, features:]
    # freeze_position=True -> detach
    position = jax.lax.stop_gradient(position)
    # token_embedding(inputs): [S, F, D]; position broadcasts as [F, 1]
    tok = jnp.take(token_table, inputs, axis=0)
    return tok + position

if __name__ == "__main__":
    import jax
    _d = setup_inputs()
    print(jax.jit(kernel)(*tuple(_d.values())))

</pallas_src>

<mosaic_0001>
#map = affine_map<(d0, d1) -> (0, 0)>
module attributes {stable_mosaic.version = 14 : i64} {
  func.func @_gather_kernel(%arg0: i32, %arg1: i32, %arg2: memref<15x99985xi32, #tpu.memory_space<hbm>>, %arg3: memref<100000x16xf32, #tpu.memory_space<hbm>>, %arg4: memref<1499520x16xf32, #tpu.memory_space<hbm>>, %arg5: memref<15x128xi32, #tpu.memory_space<vmem>>, %arg6: memref<3840x16xf32, #tpu.memory_space<vmem>>, %arg7: memref<!tpu.dma_semaphore, #tpu.memory_space<semaphore_mem>>, %arg8: memref<!tpu.dma_semaphore, #tpu.memory_space<semaphore_mem>>) attributes {dimension_semantics = [#tpu.dimension_semantics<core_parallel>, #tpu.dimension_semantics<subcore_parallel>], iteration_bounds = array<i64: 2, 16>, scalar_prefetch = 0 : i64, scratch_operands = 4 : i64, tpu.core_type = #tpu.core_type<sc_vector_subcore>, window_params = [{transform_indices = #map}, {transform_indices = #map}, {transform_indices = #map}]} {
    %mul3A = arith.constant 2 : i32
    %mul3A_0 = arith.muli %arg1, %mul3A : i32
    %add3A = arith.addi %mul3A_0, %arg0 : i32
    %mul3A_1 = arith.constant 24 : i32
    %mul3A_2 = arith.muli %add3A, %mul3A_1 : i32
    %min3A = arith.constant 13 : i32
    %min3A_3 = arith.minsi %add3A, %min3A : i32
    %add3A_4 = arith.addi %mul3A_2, %min3A_3 : i32
    %lt3A = arith.constant 13 : i32
    %lt3A_5 = arith.cmpi slt, %add3A, %lt3A : i32
    %jit3A = arith.constant 1 : i32
    %jit3A_6 = arith.constant 0 : i32
    %select_n3A = arith.select %lt3A_5, %jit3A, %jit3A_6 : i32
    %add3A_7 = arith.constant 24 : i32
    %add3A_8 = arith.addi %add3A_7, %select_n3A : i32
    %add3A_9 = arith.constant 1 : i32
    %add3A_10 = arith.addi %add3A_8, %add3A_9 : i32
    %sub3A = arith.constant 1 : i32
    %sub3A_11 = arith.subi %add3A_10, %sub3A : i32
    %jit3A_12 = arith.constant 1 : i32
    %div3A = arith.divsi %sub3A_11, %jit3A_12 : i32
    %sign3A = arith.constant 0 : i32
    %sign3A_13 = arith.cmpi sgt, %sub3A_11, %sign3A : i32
    %sign3A_14 = arith.extui %sign3A_13 : i1 to i32
    %sign3A_15 = arith.constant 0 : i32
    %sign3A_16 = arith.cmpi slt, %sub3A_11, %sign3A_15 : i32
    %sign3A_17 = arith.extui %sign3A_16 : i1 to i32
    %sign3A_18 = arith.subi %sign3A_14, %sign3A_17 : i32
    %sign3A_19 = arith.constant 0 : i32
    %sign3A_20 = arith.cmpi sgt, %jit3A_12, %sign3A_19 : i32
    %sign3A_21 = arith.extui %sign3A_20 : i1 to i32
    %sign3A_22 = arith.constant 0 : i32
    %sign3A_23 = arith.cmpi slt, %jit3A_12, %sign3A_22 : i32
    %sign3A_24 = arith.extui %sign3A_23 : i1 to i32
    %sign3A_25 = arith.subi %sign3A_21, %sign3A_24 : i32
    %ne3A = arith.cmpi ne, %sign3A_18, %sign3A_25 : i32
    %rem3A = arith.remsi %sub3A_11, %jit3A_12 : i32
    %ne3A_26 = arith.constant 0 : i32
    %ne3A_27 = arith.cmpi ne, %rem3A, %ne3A_26 : i32
    %and3A = arith.andi %ne3A, %ne3A_27 : i1
    %sub3A_28 = arith.constant 1 : i32
    %sub3A_29 = arith.subi %div3A, %sub3A_28 : i32
    %select_n3A_30 = arith.select %and3A, %sub3A_29, %div3A : i32
    %while3A = arith.constant 0 : i32
    %while3A_31 = arith.constant 0 : i32
    %while3A_32 = arith.subi %select_n3A_30, %while3A_31 : i32
    %while3A_33 = arith.addi %while3A_31, %while3A_32 : i32
    %while3A_34 = arith.constant 1 : i32
    %while3A_35 = arith.divsi %while3A_32, %while3A_34 : i32
    %while3A_36 = arith.muli %while3A_35, %while3A_34 : i32
    %while3A_37 = arith.addi %while3A_31, %while3A_36 : i32
    %while3A_38 = arith.constant 1 : i32
    scf.for %while3A_51 = %while3A_31 to %while3A_37 step %while3A_38  : i32 {
      %mul3A_52 = arith.constant 1 : i32
      %mul3A_53 = arith.muli %while3A_51, %mul3A_52 : i32
      %add3A_54 = arith.addi %add3A_4, %mul3A_53 : i32
      %min3A_55 = arith.constant 780 : i32
      %min3A_56 = arith.minsi %add3A_54, %min3A_55 : i32
      %mul3A_57 = arith.constant 128 : i32
      %mul3A_58 = arith.muli %min3A_56, %mul3A_57 : i32
      "tpu.region"() ({
        %run_scoped3A = tpu.sem_alloc : memref<!tpu.dma_semaphore, #tpu.memory_space<semaphore_mem>>
        %dma_start3A = arith.constant 0 : i32
        %dma_start3A_64 = tpu.memref_slice %arg2[%dma_start3A, %mul3A_58] : memref<15x99985xi32, #tpu.memory_space<hbm>> -> memref<15x128xi32, #tpu.memory_space<hbm>>
        %dma_start3A_65 = arith.constant 0 : i32
        %dma_start3A_66 = tpu.memref_slice %arg2[%dma_start3A_65, %mul3A_58] : memref<15x99985xi32, #tpu.memory_space<hbm>> -> memref<15x128xi32, #tpu.memory_space<hbm>>
        tpu.enqueue_dma source(%dma_start3A_66 : memref<15x128xi32, #tpu.memory_space<hbm>>) target(%arg5 : memref<15x128xi32, #tpu.memory_space<vmem>>) target_semaphore(%run_scoped3A : memref<!tpu.dma_semaphore, #tpu.memory_space<semaphore_mem>>)
        %dma_wait3A_67 = arith.constant 0 : i32
        %dma_wait3A_68 = tpu.memref_slice %arg2[%dma_wait3A_67, %mul3A_58] : memref<15x99985xi32, #tpu.memory_space<hbm>> -> memref<15x128xi32, #tpu.memory_space<hbm>>
        %dma_wait3A_69 = arith.constant 0 : i32
        %dma_wait3A_70 = tpu.memref_slice %arg2[%dma_wait3A_69, %mul3A_58] : memref<15x99985xi32, #tpu.memory_space<hbm>> -> memref<15x128xi32, #tpu.memory_space<hbm>>
        tpu.wait_dma2 semaphore(%run_scoped3A : memref<!tpu.dma_semaphore, #tpu.memory_space<semaphore_mem>>) src(%dma_wait3A_70 : memref<15x128xi32, #tpu.memory_space<hbm>>) dst(%arg5 : memref<15x128xi32, #tpu.memory_space<vmem>>)
        tpu.yield
      }) : () -> ()
      %add3A_59 = arith.constant 0 : i32
      %add3A_60 = arith.addi %add3A_54, %add3A_59 : i32
      %add3A_61 = arith.addi %add3A_4, %add3A_8 : i32
      %lt3A_62 = arith.cmpi slt, %add3A_60, %add3A_61 : i32
      %convert_element_type3A = arith.extui %lt3A_62 : i1 to i32
      %cond3A = arith.constant 0 : i32
      %cond3A_63 = arith.cmpi ne, %convert_element_type3A, %cond3A : i32
      scf.if %cond3A_63 {
        %mul3A_64 = arith.constant 1 : i32
        %mul3A_65 = arith.muli %while3A_51, %mul3A_64 : i32
        %add3A_66 = arith.constant 0 : i32
        %add3A_67 = arith.addi %mul3A_65, %add3A_66 : i32
        %and3A_68 = arith.constant 1 : i32
        %and3A_69 = arith.andi %add3A_67, %and3A_68 : i32
        %sub3A_70 = arith.subi %add3A_60, %min3A_56 : i32
        %mul3A_71 = arith.constant 128 : i32
        %mul3A_72 = arith.muli %sub3A_70, %mul3A_71 : i32
        %mul3A_73 = arith.constant 1920 : i32
        %mul3A_74 = arith.muli %and3A_69, %mul3A_73 : i32
        %add3A_75 = arith.constant 0 : i32
        %add3A_76 = arith.addi %mul3A_74, %add3A_75 : i32
        %dma_start3A = arith.constant 0 : i32
        %dma_start3A_77 = arith.constant 0 : i32
        %dma_start3A_78 = tpu.memref_slice %arg6[%add3A_76, %dma_start3A_77] : memref<3840x16xf32, #tpu.memory_space<vmem>> -> memref<128x16xf32, #tpu.memory_space<vmem>>
        %dma_start3A_79 = tpu.memref_slice %arg5[%dma_start3A, %mul3A_72] : memref<15x128xi32, #tpu.memory_space<vmem>> -> memref<1x128xi32, #tpu.memory_space<vmem>>
        %dma_start3A_80 = tpu.memref_squeeze %dma_start3A_79 : memref<1x128xi32, #tpu.memory_space<vmem>> -> memref<128xi32, #tpu.memory_space<vmem>>
        %dma_start3A_81 = arith.constant 0 : i32
        %dma_start3A_82 = arith.constant 0 : i32
        %dma_start3A_83 = tpu.memref_slice %arg3[%dma_start3A_81, %dma_start3A_82] : memref<100000x16xf32, #tpu.memory_space<hbm>> -> memref<100000x16xf32, #tpu.memory_space<hbm>>
        tpu.enqueue_indirect_dma source(%dma_start3A_83 : memref<100000x16xf32, #tpu.memory_space<hbm>>) target(%dma_start3A_78 : memref<128x16xf32, #tpu.memory_space<vmem>>) offsets(%dma_start3A_80 : memref<128xi32, #tpu.memory_space<vmem>>) semaphore(%arg7 : memref<!tpu.dma_semaphore, #tpu.memory_space<semaphore_mem>>)
        %sub3A_84 = arith.subi %add3A_60, %min3A_56 : i32
        %mul3A_85 = arith.constant 128 : i32
        %mul3A_86 = arith.muli %sub3A_84, %mul3A_85 : i32
        %mul3A_87 = arith.constant 1920 : i32
        %mul3A_88 = arith.muli %and3A_69, %mul3A_87 : i32
        %add3A_89 = arith.constant 128 : i32
        %add3A_90 = arith.addi %mul3A_88, %add3A_89 : i32
        %dma_start3A_91 = arith.constant 1 : i32
        %dma_start3A_92 = arith.constant 0 : i32
        %dma_start3A_93 = tpu.memref_slice %arg6[%add3A_90, %dma_start3A_92] : memref<3840x16xf32, #tpu.memory_space<vmem>> -> memref<128x16xf32, #tpu.memory_space<vmem>>
        %dma_start3A_94 = tpu.memref_slice %arg5[%dma_start3A_91, %mul3A_86] : memref<15x128xi32, #tpu.memory_space<vmem>> -> memref<1x128xi32, #tpu.memory_space<vmem>>
        %dma_start3A_95 = tpu.memref_squeeze %dma_start3A_94 : memref<1x128xi32, #tpu.memory_space<vmem>> -> memref<128xi32, #tpu.memory_space<vmem>>
        %dma_start3A_96 = arith.constant 0 : i32
        %dma_start3A_97 = arith.constant 0 : i32
        %dma_start3A_98 = tpu.memref_slice %arg3[%dma_start3A_96, %dma_start3A_97] : memref<100000x16xf32, #tpu.memory_space<hbm>> -> memref<100000x16xf32, #tpu.memory_space<hbm>>
        tpu.enqueue_indirect_dma source(%dma_start3A_98 : memref<100000x16xf32, #tpu.memory_space<hbm>>) target(%dma_start3A_93 : memref<128x16xf32, #tpu.memory_space<vmem>>) offsets(%dma_start3A_95 : memref<128xi32, #tpu.memory_space<vmem>>) semaphore(%arg7 : memref<!tpu.dma_semaphore, #tpu.memory_space<semaphore_mem>>)
        %sub3A_99 = arith.subi %add3A_60, %min3A_56 : i32
        %mul3A_100 = arith.constant 128 : i32
        %mul3A_101 = arith.muli %sub3A_99, %mul3A_100 : i32
        %mul3A_102 = arith.constant 1920 : i32
        %mul3A_103 = arith.muli %and3A_69, %mul3A_102 : i32
        %add3A_104 = arith.constant 256 : i32
        %add3A_105 = arith.addi %mul3A_103, %add3A_104 : i32
        %dma_start3A_106 = arith.constant 2 : i32
        %dma_start3A_107 = arith.constant 0 : i32
        %dma_start3A_108 = tpu.memref_slice %arg6[%add3A_105, %dma_start3A_107] : memref<3840x16xf32, #tpu.memory_space<vmem>> -> memref<128x16xf32, #tpu.memory_space<vmem>>
        %dma_start3A_109 = tpu.memref_slice %arg5[%dma_start3A_106, %mul3A_101] : memref<15x128xi32, #tpu.memory_space<vmem>> -> memref<1x128xi32, #tpu.memory_space<vmem>>
        %dma_start3A_110 = tpu.memref_squeeze %dma_start3A_109 : memref<1x128xi32, #tpu.memory_space<vmem>> -> memref<128xi32, #tpu.memory_space<vmem>>
        %dma_start3A_111 = arith.constant 0 : i32
        %dma_start3A_112 = arith.constant 0 : i32
        %dma_start3A_113 = tpu.memref_slice %arg3[%dma_start3A_111, %dma_start3A_112] : memref<100000x16xf32, #tpu.memory_space<hbm>> -> memref<100000x16xf32, #tpu.memory_space<hbm>>
        tpu.enqueue_indirect_dma source(%dma_start3A_113 : memref<100000x16xf32, #tpu.memory_space<hbm>>) target(%dma_start3A_108 : memref<128x16xf32, #tpu.memory_space<vmem>>) offsets(%dma_start3A_110 : memref<128xi32, #tpu.memory_space<vmem>>) semaphore(%arg7 : memref<!tpu.dma_semaphore, #tpu.memory_space<semaphore_mem>>)
        %sub3A_114 = arith.subi %add3A_60, %min3A_56 : i32
        %mul3A_115 = arith.constant 128 : i32
        %mul3A_116 = arith.muli %sub3A_114, %mul3A_115 : i32
        %mul3A_117 = arith.constant 1920 : i32
        %mul3A_118 = arith.muli %and3A_69, %mul3A_117 : i32
        %add3A_119 = arith.constant 384 : i32
        %add3A_120 = arith.addi %mul3A_118, %add3A_119 : i32
        %dma_start3A_121 = arith.constant 3 : i32
        %dma_start3A_122 = arith.constant 0 : i32
        %dma_start3A_123 = tpu.memref_slice %arg6[%add3A_120, %dma_start3A_122] : memref<3840x16xf32, #tpu.memory_space<vmem>> -> memref<128x16xf32, #tpu.memory_space<vmem>>
        %dma_start3A_124 = tpu.memref_slice %arg5[%dma_start3A_121, %mul3A_116] : memref<15x128xi32, #tpu.memory_space<vmem>> -> memref<1x128xi32, #tpu.memory_space<vmem>>
        %dma_start3A_125 = tpu.memref_squeeze %dma_start3A_124 : memref<1x128xi32, #tpu.memory_space<vmem>> -> memref<128xi32, #tpu.memory_space<vmem>>
        %dma_start3A_126 = arith.constant 0 : i32
        %dma_start3A_127 = arith.constant 0 : i32
        %dma_start3A_128 = tpu.memref_slice %arg3[%dma_start3A_126, %dma_start3A_127] : memref<100000x16xf32, #tpu.memory_space<hbm>> -> memref<100000x16xf32, #tpu.memory_space<hbm>>
        tpu.enqueue_indirect_dma source(%dma_start3A_128 : memref<100000x16xf32, #tpu.memory_space<hbm>>) target(%dma_start3A_123 : memref<128x16xf32, #tpu.memory_space<vmem>>) offsets(%dma_start3A_125 : memref<128xi32, #tpu.memory_space<vmem>>) semaphore(%arg7 : memref<!tpu.dma_semaphore, #tpu.memory_space<semaphore_mem>>)
        %sub3A_129 = arith.subi %add3A_60, %min3A_56 : i32
        %mul3A_130 = arith.constant 128 : i32
        %mul3A_131 = arith.muli %sub3A_129, %mul3A_130 : i32
        %mul3A_132 = arith.constant 1920 : i32
        %mul3A_133 = arith.muli %and3A_69, %mul3A_132 : i32
        %add3A_134 = arith.constant 512 : i32
        %add3A_135 = arith.addi %mul3A_133, %add3A_134 : i32
        %dma_start3A_136 = arith.constant 4 : i32
        %dma_start3A_137 = arith.constant 0 : i32
        %dma_start3A_138 = tpu.memref_slice %arg6[%add3A_135, %dma_start3A_137] : memref<3840x16xf32, #tpu.memory_space<vmem>> -> memref<128x16xf32, #tpu.memory_space<vmem>>
        %dma_start3A_139 = tpu.memref_slice %arg5[%dma_start3A_136, %mul3A_131] : memref<15x128xi32, #tpu.memory_space<vmem>> -> memref<1x128xi32, #tpu.memory_space<vmem>>
        %dma_start3A_140 = tpu.memref_squeeze %dma_start3A_139 : memref<1x128xi32, #tpu.memory_space<vmem>> -> memref<128xi32, #tpu.memory_space<vmem>>
        %dma_start3A_141 = arith.constant 0 : i32
        %dma_start3A_142 = arith.constant 0 : i32
        %dma_start3A_143 = tpu.memref_slice %arg3[%dma_start3A_141, %dma_start3A_142] : memref<100000x16xf32, #tpu.memory_space<hbm>> -> memref<100000x16xf32, #tpu.memory_space<hbm>>
        tpu.enqueue_indirect_dma source(%dma_start3A_143 : memref<100000x16xf32, #tpu.memory_space<hbm>>) target(%dma_start3A_138 : memref<128x16xf32, #tpu.memory_space<vmem>>) offsets(%dma_start3A_140 : memref<128xi32, #tpu.memory_space<vmem>>) semaphore(%arg7 : memref<!tpu.dma_semaphore, #tpu.memory_space<semaphore_mem>>)
        %sub3A_144 = arith.subi %add3A_60, %min3A_56 : i32
        %mul3A_145 = arith.constant 128 : i32
        %mul3A_146 = arith.muli %sub3A_144, %mul3A_145 : i32
        %mul3A_147 = arith.constant 1920 : i32
        %mul3A_148 = arith.muli %and3A_69, %mul3A_147 : i32
        %add3A_149 = arith.constant 640 : i32
        %add3A_150 = arith.addi %mul3A_148, %add3A_149 : i32
        %dma_start3A_151 = arith.constant 5 : i32
        %dma_start3A_152 = arith.constant 0 : i32
        %dma_start3A_153 = tpu.memref_slice %arg6[%add3A_150, %dma_start3A_152] : memref<3840x16xf32, #tpu.memory_space<vmem>> -> memref<128x16xf32, #tpu.memory_space<vmem>>
        %dma_start3A_154 = tpu.memref_slice %arg5[%dma_start3A_151, %mul3A_146] : memref<15x128xi32, #tpu.memory_space<vmem>> -> memref<1x128xi32, #tpu.memory_space<vmem>>
        %dma_start3A_155 = tpu.memref_squeeze %dma_start3A_154 : memref<1x128xi32, #tpu.memory_space<vmem>> -> memref<128xi32, #tpu.memory_space<vmem>>
        %dma_start3A_156 = arith.constant 0 : i32
        %dma_start3A_157 = arith.constant 0 : i32
        %dma_start3A_158 = tpu.memref_slice %arg3[%dma_start3A_156, %dma_start3A_157] : memref<100000x16xf32, #tpu.memory_space<hbm>> -> memref<100000x16xf32, #tpu.memory_space<hbm>>
        tpu.enqueue_indirect_dma source(%dma_start3A_158 : memref<100000x16xf32, #tpu.memory_space<hbm>>) target(%dma_start3A_153 : memref<128x16xf32, #tpu.memory_space<vmem>>) offsets(%dma_start3A_155 : memref<128xi32, #tpu.memory_space<vmem>>) semaphore(%arg7 : memref<!tpu.dma_semaphore, #tpu.memory_space<semaphore_mem>>)
        %sub3A_159 = arith.subi %add3A_60, %min3A_56 : i32
        %mul3A_160 = arith.constant 128 : i32
        %mul3A_161 = arith.muli %sub3A_159, %mul3A_160 : i32
        %mul3A_162 = arith.constant 1920 : i32
        %mul3A_163 = arith.muli %and3A_69, %mul3A_162 : i32
        %add3A_164 = arith.constant 768 : i32
        %add3A_165 = arith.addi %mul3A_163, %add3A_164 : i32
        %dma_start3A_166 = arith.constant 6 : i32
        %dma_start3A_167 = arith.constant 0 : i32
        %dma_start3A_168 = tpu.memref_slice %arg6[%add3A_165, %dma_start3A_167] : memref<3840x16xf32, #tpu.memory_space<vmem>> -> memref<128x16xf32, #tpu.memory_space<vmem>>
        %dma_start3A_169 = tpu.memref_slice %arg5[%dma_start3A_166, %mul3A_161] : memref<15x128xi32, #tpu.memory_space<vmem>> -> memref<1x128xi32, #tpu.memory_space<vmem>>
        %dma_start3A_170 = tpu.memref_squeeze %dma_start3A_169 : memref<1x128xi32, #tpu.memory_space<vmem>> -> memref<128xi32, #tpu.memory_space<vmem>>
        %dma_start3A_171 = arith.constant 0 : i32
        %dma_start3A_172 = arith.constant 0 : i32
        %dma_start3A_173 = tpu.memref_slice %arg3[%dma_start3A_171, %dma_start3A_172] : memref<100000x16xf32, #tpu.memory_space<hbm>> -> memref<100000x16xf32, #tpu.memory_space<hbm>>
        tpu.enqueue_indirect_dma source(%dma_start3A_173 : memref<100000x16xf32, #tpu.memory_space<hbm>>) target(%dma_start3A_168 : memref<128x16xf32, #tpu.memory_space<vmem>>) offsets(%dma_start3A_170 : memref<128xi32, #tpu.memory_space<vmem>>) semaphore(%arg7 : memref<!tpu.dma_semaphore, #tpu.memory_space<semaphore_mem>>)
        %sub3A_174 = arith.subi %add3A_60, %min3A_56 : i32
        %mul3A_175 = arith.constant 128 : i32
        %mul3A_176 = arith.muli %sub3A_174, %mul3A_175 : i32
        %mul3A_177 = arith.constant 1920 : i32
        %mul3A_178 = arith.muli %and3A_69, %mul3A_177 : i32
        %add3A_179 = arith.constant 896 : i32
        %add3A_180 = arith.addi %mul3A_178, %add3A_179 : i32
        %dma_start3A_181 = arith.constant 7 : i32
        %dma_start3A_182 = arith.constant 0 : i32
        %dma_start3A_183 = tpu.memref_slice %arg6[%add3A_180, %dma_start3A_182] : memref<3840x16xf32, #tpu.memory_space<vmem>> -> memref<128x16xf32, #tpu.memory_space<vmem>>
        %dma_start3A_184 = tpu.memref_slice %arg5[%dma_start3A_181, %mul3A_176] : memref<15x128xi32, #tpu.memory_space<vmem>> -> memref<1x128xi32, #tpu.memory_space<vmem>>
        %dma_start3A_185 = tpu.memref_squeeze %dma_start3A_184 : memref<1x128xi32, #tpu.memory_space<vmem>> -> memref<128xi32, #tpu.memory_space<vmem>>
        %dma_start3A_186 = arith.constant 0 : i32
        %dma_start3A_187 = arith.constant 0 : i32
        %dma_start3A_188 = tpu.memref_slice %arg3[%dma_start3A_186, %dma_start3A_187] : memref<100000x16xf32, #tpu.memory_space<hbm>> -> memref<100000x16xf32, #tpu.memory_space<hbm>>
        tpu.enqueue_indirect_dma source(%dma_start3A_188 : memref<100000x16xf32, #tpu.memory_space<hbm>>) target(%dma_start3A_183 : memref<128x16xf32, #tpu.memory_space<vmem>>) offsets(%dma_start3A_185 : memref<128xi32, #tpu.memory_space<vmem>>) semaphore(%arg7 : memref<!tpu.dma_semaphore, #tpu.memory_space<semaphore_mem>>)
        %sub3A_189 = arith.subi %add3A_60, %min3A_56 : i32
        %mul3A_190 = arith.constant 128 : i32
        %mul3A_191 = arith.muli %sub3A_189, %mul3A_190 : i32
        %mul3A_192 = arith.constant 1920 : i32
        %mul3A_193 = arith.muli %and3A_69, %mul3A_192 : i32
        %add3A_194 = arith.constant 1024 : i32
        %add3A_195 = arith.addi %mul3A_193, %add3A_194 : i32
        %dma_start3A_196 = arith.constant 8 : i32
        %dma_start3A_197 = arith.constant 0 : i32
        %dma_start3A_198 = tpu.memref_slice %arg6[%add3A_195, %dma_start3A_197] : memref<3840x16xf32, #tpu.memory_space<vmem>> -> memref<128x16xf32, #tpu.memory_space<vmem>>
        %dma_start3A_199 = tpu.memref_slice %arg5[%dma_start3A_196, %mul3A_191] : memref<15x128xi32, #tpu.memory_space<vmem>> -> memref<1x128xi32, #tpu.memory_space<vmem>>
        %dma_start3A_200 = tpu.memref_squeeze %dma_start3A_199 : memref<1x128xi32, #tpu.memory_space<vmem>> -> memref<128xi32, #tpu.memory_space<vmem>>
        %dma_start3A_201 = arith.constant 0 : i32
        %dma_start3A_202 = arith.constant 0 : i32
        %dma_start3A_203 = tpu.memref_slice %arg3[%dma_start3A_201, %dma_start3A_202] : memref<100000x16xf32, #tpu.memory_space<hbm>> -> memref<100000x16xf32, #tpu.memory_space<hbm>>
        tpu.enqueue_indirect_dma source(%dma_start3A_203 : memref<100000x16xf32, #tpu.memory_space<hbm>>) target(%dma_start3A_198 : memref<128x16xf32, #tpu.memory_space<vmem>>) offsets(%dma_start3A_200 : memref<128xi32, #tpu.memory_space<vmem>>) semaphore(%arg7 : memref<!tpu.dma_semaphore, #tpu.memory_space<semaphore_mem>>)
        %sub3A_204 = arith.subi %add3A_60, %min3A_56 : i32
        %mul3A_205 = arith.constant 128 : i32
        %mul3A_206 = arith.muli %sub3A_204, %mul3A_205 : i32
        %mul3A_207 = arith.constant 1920 : i32
        %mul3A_208 = arith.muli %and3A_69, %mul3A_207 : i32
        %add3A_209 = arith.constant 1152 : i32
        %add3A_210 = arith.addi %mul3A_208, %add3A_209 : i32
        %dma_start3A_211 = arith.constant 9 : i32
        %dma_start3A_212 = arith.constant 0 : i32
        %dma_start3A_213 = tpu.memref_slice %arg6[%add3A_210, %dma_start3A_212] : memref<3840x16xf32, #tpu.memory_space<vmem>> -> memref<128x16xf32, #tpu.memory_space<vmem>>
        %dma_start3A_214 = tpu.memref_slice %arg5[%dma_start3A_211, %mul3A_206] : memref<15x128xi32, #tpu.memory_space<vmem>> -> memref<1x128xi32, #tpu.memory_space<vmem>>
        %dma_start3A_215 = tpu.memref_squeeze %dma_start3A_214 : memref<1x128xi32, #tpu.memory_space<vmem>> -> memref<128xi32, #tpu.memory_space<vmem>>
        %dma_start3A_216 = arith.constant 0 : i32
        %dma_start3A_217 = arith.constant 0 : i32
        %dma_start3A_218 = tpu.memref_slice %arg3[%dma_start3A_216, %dma_start3A_217] : memref<100000x16xf32, #tpu.memory_space<hbm>> -> memref<100000x16xf32, #tpu.memory_space<hbm>>
        tpu.enqueue_indirect_dma source(%dma_start3A_218 : memref<100000x16xf32, #tpu.memory_space<hbm>>) target(%dma_start3A_213 : memref<128x16xf32, #tpu.memory_space<vmem>>) offsets(%dma_start3A_215 : memref<128xi32, #tpu.memory_space<vmem>>) semaphore(%arg7 : memref<!tpu.dma_semaphore, #tpu.memory_space<semaphore_mem>>)
        %sub3A_219 = arith.subi %add3A_60, %min3A_56 : i32
        %mul3A_220 = arith.constant 128 : i32
        %mul3A_221 = arith.muli %sub3A_219, %mul3A_220 : i32
        %mul3A_222 = arith.constant 1920 : i32
        %mul3A_223 = arith.muli %and3A_69, %mul3A_222 : i32
        %add3A_224 = arith.constant 1280 : i32
        %add3A_225 = arith.addi %mul3A_223, %add3A_224 : i32
        %dma_start3A_226 = arith.constant 10 : i32
        %dma_start3A_227 = arith.constant 0 : i32
        %dma_start3A_228 = tpu.memref_slice %arg6[%add3A_225, %dma_start3A_227] : memref<3840x16xf32, #tpu.memory_space<vmem>> -> memref<128x16xf32, #tpu.memory_space<vmem>>
        %dma_start3A_229 = tpu.memref_slice %arg5[%dma_start3A_226, %mul3A_221] : memref<15x128xi32, #tpu.memory_space<vmem>> -> memref<1x128xi32, #tpu.memory_space<vmem>>
        %dma_start3A_230 = tpu.memref_squeeze %dma_start3A_229 : memref<1x128xi32, #tpu.memory_space<vmem>> -> memref<128xi32, #tpu.memory_space<vmem>>
        %dma_start3A_231 = arith.constant 0 : i32
        %dma_start3A_232 = arith.constant 0 : i32
        %dma_start3A_233 = tpu.memref_slice %arg3[%dma_start3A_231, %dma_start3A_232] : memref<100000x16xf32, #tpu.memory_space<hbm>> -> memref<100000x16xf32, #tpu.memory_space<hbm>>
        tpu.enqueue_indirect_dma source(%dma_start3A_233 : memref<100000x16xf32, #tpu.memory_space<hbm>>) target(%dma_start3A_228 : memref<128x16xf32, #tpu.memory_space<vmem>>) offsets(%dma_start3A_230 : memref<128xi32, #tpu.memory_space<vmem>>) semaphore(%arg7 : memref<!tpu.dma_semaphore, #tpu.memory_space<semaphore_mem>>)
        %sub3A_234 = arith.subi %add3A_60, %min3A_56 : i32
        %mul3A_235 = arith.constant 128 : i32
        %mul3A_236 = arith.muli %sub3A_234, %mul3A_235 : i32
        %mul3A_237 = arith.constant 1920 : i32
        %mul3A_238 = arith.muli %and3A_69, %mul3A_237 : i32
        %add3A_239 = arith.constant 1408 : i32
        %add3A_240 = arith.addi %mul3A_238, %add3A_239 : i32
        %dma_start3A_241 = arith.constant 11 : i32
        %dma_start3A_242 = arith.constant 0 : i32
        %dma_start3A_243 = tpu.memref_slice %arg6[%add3A_240, %dma_start3A_242] : memref<3840x16xf32, #tpu.memory_space<vmem>> -> memref<128x16xf32, #tpu.memory_space<vmem>>
        %dma_start3A_244 = tpu.memref_slice %arg5[%dma_start3A_241, %mul3A_236] : memref<15x128xi32, #tpu.memory_space<vmem>> -> memref<1x128xi32, #tpu.memory_space<vmem>>
        %dma_start3A_245 = tpu.memref_squeeze %dma_start3A_244 : memref<1x128xi32, #tpu.memory_space<vmem>> -> memref<128xi32, #tpu.memory_space<vmem>>
        %dma_start3A_246 = arith.constant 0 : i32
        %dma_start3A_247 = arith.constant 0 : i32
        %dma_start3A_248 = tpu.memref_slice %arg3[%dma_start3A_246, %dma_start3A_247] : memref<100000x16xf32, #tpu.memory_space<hbm>> -> memref<100000x16xf32, #tpu.memory_space<hbm>>
        tpu.enqueue_indirect_dma source(%dma_start3A_248 : memref<100000x16xf32, #tpu.memory_space<hbm>>) target(%dma_start3A_243 : memref<128x16xf32, #tpu.memory_space<vmem>>) offsets(%dma_start3A_245 : memref<128xi32, #tpu.memory_space<vmem>>) semaphore(%arg7 : memref<!tpu.dma_semaphore, #tpu.memory_space<semaphore_mem>>)
        %sub3A_249 = arith.subi %add3A_60, %min3A_56 : i32
        %mul3A_250 = arith.constant 128 : i32
        %mul3A_251 = arith.muli %sub3A_249, %mul3A_250 : i32
        %mul3A_252 = arith.constant 1920 : i32
        %mul3A_253 = arith.muli %and3A_69, %mul3A_252 : i32
        %add3A_254 = arith.constant 1536 : i32
        %add3A_255 = arith.addi %mul3A_253, %add3A_254 : i32
        %dma_start3A_256 = arith.constant 12 : i32
        %dma_start3A_257 = arith.constant 0 : i32
        %dma_start3A_258 = tpu.memref_slice %arg6[%add3A_255, %dma_start3A_257] : memref<3840x16xf32, #tpu.memory_space<vmem>> -> memref<128x16xf32, #tpu.memory_space<vmem>>
        %dma_start3A_259 = tpu.memref_slice %arg5[%dma_start3A_256, %mul3A_251] : memref<15x128xi32, #tpu.memory_space<vmem>> -> memref<1x128xi32, #tpu.memory_space<vmem>>
        %dma_start3A_260 = tpu.memref_squeeze %dma_start3A_259 : memref<1x128xi32, #tpu.memory_space<vmem>> -> memref<128xi32, #tpu.memory_space<vmem>>
        %dma_start3A_261 = arith.constant 0 : i32
        %dma_start3A_262 = arith.constant 0 : i32
        %dma_start3A_263 = tpu.memref_slice %arg3[%dma_start3A_261, %dma_start3A_262] : memref<100000x16xf32, #tpu.memory_space<hbm>> -> memref<100000x16xf32, #tpu.memory_space<hbm>>
        tpu.enqueue_indirect_dma source(%dma_start3A_263 : memref<100000x16xf32, #tpu.memory_space<hbm>>) target(%dma_start3A_258 : memref<128x16xf32, #tpu.memory_space<vmem>>) offsets(%dma_start3A_260 : memref<128xi32, #tpu.memory_space<vmem>>) semaphore(%arg7 : memref<!tpu.dma_semaphore, #tpu.memory_space<semaphore_mem>>)
        %sub3A_264 = arith.subi %add3A_60, %min3A_56 : i32
        %mul3A_265 = arith.constant 128 : i32
        %mul3A_266 = arith.muli %sub3A_264, %mul3A_265 : i32
        %mul3A_267 = arith.constant 1920 : i32
        %mul3A_268 = arith.muli %and3A_69, %mul3A_267 : i32
        %add3A_269 = arith.constant 1664 : i32
        %add3A_270 = arith.addi %mul3A_268, %add3A_269 : i32
        %dma_start3A_271 = arith.constant 13 : i32
        %dma_start3A_272 = arith.constant 0 : i32
        %dma_start3A_273 = tpu.memref_slice %arg6[%add3A_270, %dma_start3A_272] : memref<3840x16xf32, #tpu.memory_space<vmem>> -> memref<128x16xf32, #tpu.memory_space<vmem>>
        %dma_start3A_274 = tpu.memref_slice %arg5[%dma_start3A_271, %mul3A_266] : memref<15x128xi32, #tpu.memory_space<vmem>> -> memref<1x128xi32, #tpu.memory_space<vmem>>
        %dma_start3A_275 = tpu.memref_squeeze %dma_start3A_274 : memref<1x128xi32, #tpu.memory_space<vmem>> -> memref<128xi32, #tpu.memory_space<vmem>>
        %dma_start3A_276 = arith.constant 0 : i32
        %dma_start3A_277 = arith.constant 0 : i32
        %dma_start3A_278 = tpu.memref_slice %arg3[%dma_start3A_276, %dma_start3A_277] : memref<100000x16xf32, #tpu.memory_space<hbm>> -> memref<100000x16xf32, #tpu.memory_space<hbm>>
        tpu.enqueue_indirect_dma source(%dma_start3A_278 : memref<100000x16xf32, #tpu.memory_space<hbm>>) target(%dma_start3A_273 : memref<128x16xf32, #tpu.memory_space<vmem>>) offsets(%dma_start3A_275 : memref<128xi32, #tpu.memory_space<vmem>>) semaphore(%arg7 : memref<!tpu.dma_semaphore, #tpu.memory_space<semaphore_mem>>)
        %sub3A_279 = arith.subi %add3A_60, %min3A_56 : i32
        %mul3A_280 = arith.constant 128 : i32
        %mul3A_281 = arith.muli %sub3A_279, %mul3A_280 : i32
        %mul3A_282 = arith.constant 1920 : i32
        %mul3A_283 = arith.muli %and3A_69, %mul3A_282 : i32
        %add3A_284 = arith.constant 1792 : i32
        %add3A_285 = arith.addi %mul3A_283, %add3A_284 : i32
        %dma_start3A_286 = arith.constant 14 : i32
        %dma_start3A_287 = arith.constant 0 : i32
        %dma_start3A_288 = tpu.memref_slice %arg6[%add3A_285, %dma_start3A_287] : memref<3840x16xf32, #tpu.memory_space<vmem>> -> memref<128x16xf32, #tpu.memory_space<vmem>>
        %dma_start3A_289 = tpu.memref_slice %arg5[%dma_start3A_286, %mul3A_281] : memref<15x128xi32, #tpu.memory_space<vmem>> -> memref<1x128xi32, #tpu.memory_space<vmem>>
        %dma_start3A_290 = tpu.memref_squeeze %dma_start3A_289 : memref<1x128xi32, #tpu.memory_space<vmem>> -> memref<128xi32, #tpu.memory_space<vmem>>
        %dma_start3A_291 = arith.constant 0 : i32
        %dma_start3A_292 = arith.constant 0 : i32
        %dma_start3A_293 = tpu.memref_slice %arg3[%dma_start3A_291, %dma_start3A_292] : memref<100000x16xf32, #tpu.memory_space<hbm>> -> memref<100000x16xf32, #tpu.memory_space<hbm>>
        tpu.enqueue_indirect_dma source(%dma_start3A_293 : memref<100000x16xf32, #tpu.memory_space<hbm>>) target(%dma_start3A_288 : memref<128x16xf32, #tpu.memory_space<vmem>>) offsets(%dma_start3A_290 : memref<128xi32, #tpu.memory_space<vmem>>) semaphore(%arg7 : memref<!tpu.dma_semaphore, #tpu.memory_space<semaphore_mem>>)
        %mul3A_294 = arith.constant 1920 : i32
        %mul3A_295 = arith.muli %and3A_69, %mul3A_294 : i32
        %add3A_296 = arith.constant 0 : i32
        %add3A_297 = arith.addi %mul3A_295, %add3A_296 : i32
        %dma_wait3A_298 = arith.constant 0 : i32
        %dma_wait3A_299 = arith.constant 0 : i32
        %dma_wait3A_300 = tpu.memref_slice %arg6[%add3A_297, %dma_wait3A_299] : memref<3840x16xf32, #tpu.memory_space<vmem>> -> memref<128x16xf32, #tpu.memory_space<vmem>>
        %dma_wait3A_301 = arith.constant 0 : i32
        %dma_wait3A_302 = tpu.memref_slice %arg5[%dma_wait3A_298, %dma_wait3A_301] : memref<15x128xi32, #tpu.memory_space<vmem>> -> memref<1x128xi32, #tpu.memory_space<vmem>>
        %dma_wait3A_303 = tpu.memref_squeeze %dma_wait3A_302 : memref<1x128xi32, #tpu.memory_space<vmem>> -> memref<128xi32, #tpu.memory_space<vmem>>
        %dma_wait3A_304 = arith.constant 0 : i32
        %dma_wait3A_305 = arith.constant 0 : i32
        %dma_wait3A_306 = tpu.memref_slice %arg3[%dma_wait3A_304, %dma_wait3A_305] : memref<100000x16xf32, #tpu.memory_space<hbm>> -> memref<100000x16xf32, #tpu.memory_space<hbm>>
        tpu.wait_indirect_dma semaphore(%arg7 : memref<!tpu.dma_semaphore, #tpu.memory_space<semaphore_mem>>) src(%dma_wait3A_306 : memref<100000x16xf32, #tpu.memory_space<hbm>>) dst(%dma_wait3A_300 : memref<128x16xf32, #tpu.memory_space<vmem>>)
        %mul3A_307 = arith.constant 1920 : i32
        %mul3A_308 = arith.muli %and3A_69, %mul3A_307 : i32
        %add3A_309 = arith.constant 128 : i32
        %add3A_310 = arith.addi %mul3A_308, %add3A_309 : i32
        %dma_wait3A_311 = arith.constant 1 : i32
        %dma_wait3A_312 = arith.constant 0 : i32
        %dma_wait3A_313 = tpu.memref_slice %arg6[%add3A_310, %dma_wait3A_312] : memref<3840x16xf32, #tpu.memory_space<vmem>> -> memref<128x16xf32, #tpu.memory_space<vmem>>
        %dma_wait3A_314 = arith.constant 0 : i32
        %dma_wait3A_315 = tpu.memref_slice %arg5[%dma_wait3A_311, %dma_wait3A_314] : memref<15x128xi32, #tpu.memory_space<vmem>> -> memref<1x128xi32, #tpu.memory_space<vmem>>
        %dma_wait3A_316 = tpu.memref_squeeze %dma_wait3A_315 : memref<1x128xi32, #tpu.memory_space<vmem>> -> memref<128xi32, #tpu.memory_space<vmem>>
        %dma_wait3A_317 = arith.constant 0 : i32
        %dma_wait3A_318 = arith.constant 0 : i32
        %dma_wait3A_319 = tpu.memref_slice %arg3[%dma_wait3A_317, %dma_wait3A_318] : memref<100000x16xf32, #tpu.memory_space<hbm>> -> memref<100000x16xf32, #tpu.memory_space<hbm>>
        tpu.wait_indirect_dma semaphore(%arg7 : memref<!tpu.dma_semaphore, #tpu.memory_space<semaphore_mem>>) src(%dma_wait3A_319 : memref<100000x16xf32, #tpu.memory_space<hbm>>) dst(%dma_wait3A_313 : memref<128x16xf32, #tpu.memory_space<vmem>>)
        %mul3A_320 = arith.constant 1920 : i32
        %mul3A_321 = arith.muli %and3A_69, %mul3A_320 : i32
        %add3A_322 = arith.constant 256 : i32
        %add3A_323 = arith.addi %mul3A_321, %add3A_322 : i32
        %dma_wait3A_324 = arith.constant 2 : i32
        %dma_wait3A_325 = arith.constant 0 : i32
        %dma_wait3A_326 = tpu.memref_slice %arg6[%add3A_323, %dma_wait3A_325] : memref<3840x16xf32, #tpu.memory_space<vmem>> -> memref<128x16xf32, #tpu.memory_space<vmem>>
        %dma_wait3A_327 = arith.constant 0 : i32
        %dma_wait3A_328 = tpu.memref_slice %arg5[%dma_wait3A_324, %dma_wait3A_327] : memref<15x128xi32, #tpu.memory_space<vmem>> -> memref<1x128xi32, #tpu.memory_space<vmem>>
        %dma_wait3A_329 = tpu.memref_squeeze %dma_wait3A_328 : memref<1x128xi32, #tpu.memory_space<vmem>> -> memref<128xi32, #tpu.memory_space<vmem>>
        %dma_wait3A_330 = arith.constant 0 : i32
        %dma_wait3A_331 = arith.constant 0 : i32
        %dma_wait3A_332 = tpu.memref_slice %arg3[%dma_wait3A_330, %dma_wait3A_331] : memref<100000x16xf32, #tpu.memory_space<hbm>> -> memref<100000x16xf32, #tpu.memory_space<hbm>>
        tpu.wait_indirect_dma semaphore(%arg7 : memref<!tpu.dma_semaphore, #tpu.memory_space<semaphore_mem>>) src(%dma_wait3A_332 : memref<100000x16xf32, #tpu.memory_space<hbm>>) dst(%dma_wait3A_326 : memref<128x16xf32, #tpu.memory_space<vmem>>)
        %mul3A_333 = arith.constant 1920 : i32
        %mul3A_334 = arith.muli %and3A_69, %mul3A_333 : i32
        %add3A_335 = arith.constant 384 : i32
        %add3A_336 = arith.addi %mul3A_334, %add3A_335 : i32
        %dma_wait3A_337 = arith.constant 3 : i32
        %dma_wait3A_338 = arith.constant 0 : i32
        %dma_wait3A_339 = tpu.memref_slice %arg6[%add3A_336, %dma_wait3A_338] : memref<3840x16xf32, #tpu.memory_space<vmem>> -> memref<128x16xf32, #tpu.memory_space<vmem>>
        %dma_wait3A_340 = arith.constant 0 : i32
        %dma_wait3A_341 = tpu.memref_slice %arg5[%dma_wait3A_337, %dma_wait3A_340] : memref<15x128xi32, #tpu.memory_space<vmem>> -> memref<1x128xi32, #tpu.memory_space<vmem>>
        %dma_wait3A_342 = tpu.memref_squeeze %dma_wait3A_341 : memref<1x128xi32, #tpu.memory_space<vmem>> -> memref<128xi32, #tpu.memory_space<vmem>>
        %dma_wait3A_343 = arith.constant 0 : i32
        %dma_wait3A_344 = arith.constant 0 : i32
        %dma_wait3A_345 = tpu.memref_slice %arg3[%dma_wait3A_343, %dma_wait3A_344] : memref<100000x16xf32, #tpu.memory_space<hbm>> -> memref<100000x16xf32, #tpu.memory_space<hbm>>
        tpu.wait_indirect_dma semaphore(%arg7 : memref<!tpu.dma_semaphore, #tpu.memory_space<semaphore_mem>>) src(%dma_wait3A_345 : memref<100000x16xf32, #tpu.memory_space<hbm>>) dst(%dma_wait3A_339 : memref<128x16xf32, #tpu.memory_space<vmem>>)
        %mul3A_346 = arith.constant 1920 : i32
        %mul3A_347 = arith.muli %and3A_69, %mul3A_346 : i32
        %add3A_348 = arith.constant 512 : i32
        %add3A_349 = arith.addi %mul3A_347, %add3A_348 : i32
        %dma_wait3A_350 = arith.constant 4 : i32
        %dma_wait3A_351 = arith.constant 0 : i32
        %dma_wait3A_352 = tpu.memref_slice %arg6[%add3A_349, %dma_wait3A_351] : memref<3840x16xf32, #tpu.memory_space<vmem>> -> memref<128x16xf32, #tpu.memory_space<vmem>>
        %dma_wait3A_353 = arith.constant 0 : i32
        %dma_wait3A_354 = tpu.memref_slice %arg5[%dma_wait3A_350, %dma_wait3A_353] : memref<15x128xi32, #tpu.memory_space<vmem>> -> memref<1x128xi32, #tpu.memory_space<vmem>>
        %dma_wait3A_355 = tpu.memref_squeeze %dma_wait3A_354 : memref<1x128xi32, #tpu.memory_space<vmem>> -> memref<128xi32, #tpu.memory_space<vmem>>
        %dma_wait3A_356 = arith.constant 0 : i32
        %dma_wait3A_357 = arith.constant 0 : i32
        %dma_wait3A_358 = tpu.memref_slice %arg3[%dma_wait3A_356, %dma_wait3A_357] : memref<100000x16xf32, #tpu.memory_space<hbm>> -> memref<100000x16xf32, #tpu.memory_space<hbm>>
        tpu.wait_indirect_dma semaphore(%arg7 : memref<!tpu.dma_semaphore, #tpu.memory_space<semaphore_mem>>) src(%dma_wait3A_358 : memref<100000x16xf32, #tpu.memory_space<hbm>>) dst(%dma_wait3A_352 : memref<128x16xf32, #tpu.memory_space<vmem>>)
        %mul3A_359 = arith.constant 1920 : i32
        %mul3A_360 = arith.muli %and3A_69, %mul3A_359 : i32
        %add3A_361 = arith.constant 640 : i32
        %add3A_362 = arith.addi %mul3A_360, %add3A_361 : i32
        %dma_wait3A_363 = arith.constant 5 : i32
        %dma_wait3A_364 = arith.constant 0 : i32
        %dma_wait3A_365 = tpu.memref_slice %arg6[%add3A_362, %dma_wait3A_364] : memref<3840x16xf32, #tpu.memory_space<vmem>> -> memref<128x16xf32, #tpu.memory_space<vmem>>
        %dma_wait3A_366 = arith.constant 0 : i32
        %dma_wait3A_367 = tpu.memref_slice %arg5[%dma_wait3A_363, %dma_wait3A_366] : memref<15x128xi32, #tpu.memory_space<vmem>> -> memref<1x128xi32, #tpu.memory_space<vmem>>
        %dma_wait3A_368 = tpu.memref_squeeze %dma_wait3A_367 : memref<1x128xi32, #tpu.memory_space<vmem>> -> memref<128xi32, #tpu.memory_space<vmem>>
        %dma_wait3A_369 = arith.constant 0 : i32
        %dma_wait3A_370 = arith.constant 0 : i32
        %dma_wait3A_371 = tpu.memref_slice %arg3[%dma_wait3A_369, %dma_wait3A_370] : memref<100000x16xf32, #tpu.memory_space<hbm>> -> memref<100000x16xf32, #tpu.memory_space<hbm>>
        tpu.wait_indirect_dma semaphore(%arg7 : memref<!tpu.dma_semaphore, #tpu.memory_space<semaphore_mem>>) src(%dma_wait3A_371 : memref<100000x16xf32, #tpu.memory_space<hbm>>) dst(%dma_wait3A_365 : memref<128x16xf32, #tpu.memory_space<vmem>>)
        %mul3A_372 = arith.constant 1920 : i32
        %mul3A_373 = arith.muli %and3A_69, %mul3A_372 : i32
        %add3A_374 = arith.constant 768 : i32
        %add3A_375 = arith.addi %mul3A_373, %add3A_374 : i32
        %dma_wait3A_376 = arith.constant 6 : i32
        %dma_wait3A_377 = arith.constant 0 : i32
        %dma_wait3A_378 = tpu.memref_slice %arg6[%add3A_375, %dma_wait3A_377] : memref<3840x16xf32, #tpu.memory_space<vmem>> -> memref<128x16xf32, #tpu.memory_space<vmem>>
        %dma_wait3A_379 = arith.constant 0 : i32
        %dma_wait3A_380 = tpu.memref_slice %arg5[%dma_wait3A_376, %dma_wait3A_379] : memref<15x128xi32, #tpu.memory_space<vmem>> -> memref<1x128xi32, #tpu.memory_space<vmem>>
        %dma_wait3A_381 = tpu.memref_squeeze %dma_wait3A_380 : memref<1x128xi32, #tpu.memory_space<vmem>> -> memref<128xi32, #tpu.memory_space<vmem>>
        %dma_wait3A_382 = arith.constant 0 : i32
        %dma_wait3A_383 = arith.constant 0 : i32
        %dma_wait3A_384 = tpu.memref_slice %arg3[%dma_wait3A_382, %dma_wait3A_383] : memref<100000x16xf32, #tpu.memory_space<hbm>> -> memref<100000x16xf32, #tpu.memory_space<hbm>>
        tpu.wait_indirect_dma semaphore(%arg7 : memref<!tpu.dma_semaphore, #tpu.memory_space<semaphore_mem>>) src(%dma_wait3A_384 : memref<100000x16xf32, #tpu.memory_space<hbm>>) dst(%dma_wait3A_378 : memref<128x16xf32, #tpu.memory_space<vmem>>)
        %mul3A_385 = arith.constant 1920 : i32
        %mul3A_386 = arith.muli %and3A_69, %mul3A_385 : i32
        %add3A_387 = arith.constant 896 : i32
        %add3A_388 = arith.addi %mul3A_386, %add3A_387 : i32
        %dma_wait3A_389 = arith.constant 7 : i32
        %dma_wait3A_390 = arith.constant 0 : i32
        %dma_wait3A_391 = tpu.memref_slice %arg6[%add3A_388, %dma_wait3A_390] : memref<3840x16xf32, #tpu.memory_space<vmem>> -> memref<128x16xf32, #tpu.memory_space<vmem>>
        %dma_wait3A_392 = arith.constant 0 : i32
        %dma_wait3A_393 = tpu.memref_slice %arg5[%dma_wait3A_389, %dma_wait3A_392] : memref<15x128xi32, #tpu.memory_space<vmem>> -> memref<1x128xi32, #tpu.memory_space<vmem>>
        %dma_wait3A_394 = tpu.memref_squeeze %dma_wait3A_393 : memref<1x128xi32, #tpu.memory_space<vmem>> -> memref<128xi32, #tpu.memory_space<vmem>>
        %dma_wait3A_395 = arith.constant 0 : i32
        %dma_wait3A_396 = arith.constant 0 : i32
        %dma_wait3A_397 = tpu.memref_slice %arg3[%dma_wait3A_395, %dma_wait3A_396] : memref<100000x16xf32, #tpu.memory_space<hbm>> -> memref<100000x16xf32, #tpu.memory_space<hbm>>
        tpu.wait_indirect_dma semaphore(%arg7 : memref<!tpu.dma_semaphore, #tpu.memory_space<semaphore_mem>>) src(%dma_wait3A_397 : memref<100000x16xf32, #tpu.memory_space<hbm>>) dst(%dma_wait3A_391 : memref<128x16xf32, #tpu.memory_space<vmem>>)
        %mul3A_398 = arith.constant 1920 : i32
        %mul3A_399 = arith.muli %and3A_69, %mul3A_398 : i32
        %add3A_400 = arith.constant 1024 : i32
        %add3A_401 = arith.addi %mul3A_399, %add3A_400 : i32
        %dma_wait3A_402 = arith.constant 8 : i32
        %dma_wait3A_403 = arith.constant 0 : i32
        %dma_wait3A_404 = tpu.memref_slice %arg6[%add3A_401, %dma_wait3A_403] : memref<3840x16xf32, #tpu.memory_space<vmem>> -> memref<128x16xf32, #tpu.memory_space<vmem>>
        %dma_wait3A_405 = arith.constant 0 : i32
        %dma_wait3A_406 = tpu.memref_slice %arg5[%dma_wait3A_402, %dma_wait3A_405] : memref<15x128xi32, #tpu.memory_space<vmem>> -> memref<1x128xi32, #tpu.memory_space<vmem>>
        %dma_wait3A_407 = tpu.memref_squeeze %dma_wait3A_406 : memref<1x128xi32, #tpu.memory_space<vmem>> -> memref<128xi32, #tpu.memory_space<vmem>>
        %dma_wait3A_408 = arith.constant 0 : i32
        %dma_wait3A_409 = arith.constant 0 : i32
        %dma_wait3A_410 = tpu.memref_slice %arg3[%dma_wait3A_408, %dma_wait3A_409] : memref<100000x16xf32, #tpu.memory_space<hbm>> -> memref<100000x16xf32, #tpu.memory_space<hbm>>
        tpu.wait_indirect_dma semaphore(%arg7 : memref<!tpu.dma_semaphore, #tpu.memory_space<semaphore_mem>>) src(%dma_wait3A_410 : memref<100000x16xf32, #tpu.memory_space<hbm>>) dst(%dma_wait3A_404 : memref<128x16xf32, #tpu.memory_space<vmem>>)
        %mul3A_411 = arith.constant 1920 : i32
        %mul3A_412 = arith.muli %and3A_69, %mul3A_411 : i32
        %add3A_413 = arith.constant 1152 : i32
        %add3A_414 = arith.addi %mul3A_412, %add3A_413 : i32
        %dma_wait3A_415 = arith.constant 9 : i32
        %dma_wait3A_416 = arith.constant 0 : i32
        %dma_wait3A_417 = tpu.memref_slice %arg6[%add3A_414, %dma_wait3A_416] : memref<3840x16xf32, #tpu.memory_space<vmem>> -> memref<128x16xf32, #tpu.memory_space<vmem>>
        %dma_wait3A_418 = arith.constant 0 : i32
        %dma_wait3A_419 = tpu.memref_slice %arg5[%dma_wait3A_415, %dma_wait3A_418] : memref<15x128xi32, #tpu.memory_space<vmem>> -> memref<1x128xi32, #tpu.memory_space<vmem>>
        %dma_wait3A_420 = tpu.memref_squeeze %dma_wait3A_419 : memref<1x128xi32, #tpu.memory_space<vmem>> -> memref<128xi32, #tpu.memory_space<vmem>>
        %dma_wait3A_421 = arith.constant 0 : i32
        %dma_wait3A_422 = arith.constant 0 : i32
        %dma_wait3A_423 = tpu.memref_slice %arg3[%dma_wait3A_421, %dma_wait3A_422] : memref<100000x16xf32, #tpu.memory_space<hbm>> -> memref<100000x16xf32, #tpu.memory_space<hbm>>
        tpu.wait_indirect_dma semaphore(%arg7 : memref<!tpu.dma_semaphore, #tpu.memory_space<semaphore_mem>>) src(%dma_wait3A_423 : memref<100000x16xf32, #tpu.memory_space<hbm>>) dst(%dma_wait3A_417 : memref<128x16xf32, #tpu.memory_space<vmem>>)
        %mul3A_424 = arith.constant 1920 : i32
        %mul3A_425 = arith.muli %and3A_69, %mul3A_424 : i32
        %add3A_426 = arith.constant 1280 : i32
        %add3A_427 = arith.addi %mul3A_425, %add3A_426 : i32
        %dma_wait3A_428 = arith.constant 10 : i32
        %dma_wait3A_429 = arith.constant 0 : i32
        %dma_wait3A_430 = tpu.memref_slice %arg6[%add3A_427, %dma_wait3A_429] : memref<3840x16xf32, #tpu.memory_space<vmem>> -> memref<128x16xf32, #tpu.memory_space<vmem>>
        %dma_wait3A_431 = arith.constant 0 : i32
        %dma_wait3A_432 = tpu.memref_slice %arg5[%dma_wait3A_428, %dma_wait3A_431] : memref<15x128xi32, #tpu.memory_space<vmem>> -> memref<1x128xi32, #tpu.memory_space<vmem>>
        %dma_wait3A_433 = tpu.memref_squeeze %dma_wait3A_432 : memref<1x128xi32, #tpu.memory_space<vmem>> -> memref<128xi32, #tpu.memory_space<vmem>>
        %dma_wait3A_434 = arith.constant 0 : i32
        %dma_wait3A_435 = arith.constant 0 : i32
        %dma_wait3A_436 = tpu.memref_slice %arg3[%dma_wait3A_434, %dma_wait3A_435] : memref<100000x16xf32, #tpu.memory_space<hbm>> -> memref<100000x16xf32, #tpu.memory_space<hbm>>
        tpu.wait_indirect_dma semaphore(%arg7 : memref<!tpu.dma_semaphore, #tpu.memory_space<semaphore_mem>>) src(%dma_wait3A_436 : memref<100000x16xf32, #tpu.memory_space<hbm>>) dst(%dma_wait3A_430 : memref<128x16xf32, #tpu.memory_space<vmem>>)
        %mul3A_437 = arith.constant 1920 : i32
        %mul3A_438 = arith.muli %and3A_69, %mul3A_437 : i32
        %add3A_439 = arith.constant 1408 : i32
        %add3A_440 = arith.addi %mul3A_438, %add3A_439 : i32
        %dma_wait3A_441 = arith.constant 11 : i32
        %dma_wait3A_442 = arith.constant 0 : i32
        %dma_wait3A_443 = tpu.memref_slice %arg6[%add3A_440, %dma_wait3A_442] : memref<3840x16xf32, #tpu.memory_space<vmem>> -> memref<128x16xf32, #tpu.memory_space<vmem>>
        %dma_wait3A_444 = arith.constant 0 : i32
        %dma_wait3A_445 = tpu.memref_slice %arg5[%dma_wait3A_441, %dma_wait3A_444] : memref<15x128xi32, #tpu.memory_space<vmem>> -> memref<1x128xi32, #tpu.memory_space<vmem>>
        %dma_wait3A_446 = tpu.memref_squeeze %dma_wait3A_445 : memref<1x128xi32, #tpu.memory_space<vmem>> -> memref<128xi32, #tpu.memory_space<vmem>>
        %dma_wait3A_447 = arith.constant 0 : i32
        %dma_wait3A_448 = arith.constant 0 : i32
        %dma_wait3A_449 = tpu.memref_slice %arg3[%dma_wait3A_447, %dma_wait3A_448] : memref<100000x16xf32, #tpu.memory_space<hbm>> -> memref<100000x16xf32, #tpu.memory_space<hbm>>
        tpu.wait_indirect_dma semaphore(%arg7 : memref<!tpu.dma_semaphore, #tpu.memory_space<semaphore_mem>>) src(%dma_wait3A_449 : memref<100000x16xf32, #tpu.memory_space<hbm>>) dst(%dma_wait3A_443 : memref<128x16xf32, #tpu.memory_space<vmem>>)
        %mul3A_450 = arith.constant 1920 : i32
        %mul3A_451 = arith.muli %and3A_69, %mul3A_450 : i32
        %add3A_452 = arith.constant 1536 : i32
        %add3A_453 = arith.addi %mul3A_451, %add3A_452 : i32
        %dma_wait3A_454 = arith.constant 12 : i32
        %dma_wait3A_455 = arith.constant 0 : i32
        %dma_wait3A_456 = tpu.memref_slice %arg6[%add3A_453, %dma_wait3A_455] : memref<3840x16xf32, #tpu.memory_space<vmem>> -> memref<128x16xf32, #tpu.memory_space<vmem>>
        %dma_wait3A_457 = arith.constant 0 : i32
        %dma_wait3A_458 = tpu.memref_slice %arg5[%dma_wait3A_454, %dma_wait3A_457] : memref<15x128xi32, #tpu.memory_space<vmem>> -> memref<1x128xi32, #tpu.memory_space<vmem>>
        %dma_wait3A_459 = tpu.memref_squeeze %dma_wait3A_458 : memref<1x128xi32, #tpu.memory_space<vmem>> -> memref<128xi32, #tpu.memory_space<vmem>>
        %dma_wait3A_460 = arith.constant 0 : i32
        %dma_wait3A_461 = arith.constant 0 : i32
        %dma_wait3A_462 = tpu.memref_slice %arg3[%dma_wait3A_460, %dma_wait3A_461] : memref<100000x16xf32, #tpu.memory_space<hbm>> -> memref<100000x16xf32, #tpu.memory_space<hbm>>
        tpu.wait_indirect_dma semaphore(%arg7 : memref<!tpu.dma_semaphore, #tpu.memory_space<semaphore_mem>>) src(%dma_wait3A_462 : memref<100000x16xf32, #tpu.memory_space<hbm>>) dst(%dma_wait3A_456 : memref<128x16xf32, #tpu.memory_space<vmem>>)
        %mul3A_463 = arith.constant 1920 : i32
        %mul3A_464 = arith.muli %and3A_69, %mul3A_463 : i32
        %add3A_465 = arith.constant 1664 : i32
        %add3A_466 = arith.addi %mul3A_464, %add3A_465 : i32
        %dma_wait3A_467 = arith.constant 13 : i32
        %dma_wait3A_468 = arith.constant 0 : i32
        %dma_wait3A_469 = tpu.memref_slice %arg6[%add3A_466, %dma_wait3A_468] : memref<3840x16xf32, #tpu.memory_space<vmem>> -> memref<128x16xf32, #tpu.memory_space<vmem>>
        %dma_wait3A_470 = arith.constant 0 : i32
        %dma_wait3A_471 = tpu.memref_slice %arg5[%dma_wait3A_467, %dma_wait3A_470] : memref<15x128xi32, #tpu.memory_space<vmem>> -> memref<1x128xi32, #tpu.memory_space<vmem>>
        %dma_wait3A_472 = tpu.memref_squeeze %dma_wait3A_471 : memref<1x128xi32, #tpu.memory_space<vmem>> -> memref<128xi32, #tpu.memory_space<vmem>>
        %dma_wait3A_473 = arith.constant 0 : i32
        %dma_wait3A_474 = arith.constant 0 : i32
        %dma_wait3A_475 = tpu.memref_slice %arg3[%dma_wait3A_473, %dma_wait3A_474] : memref<100000x16xf32, #tpu.memory_space<hbm>> -> memref<100000x16xf32, #tpu.memory_space<hbm>>
        tpu.wait_indirect_dma semaphore(%arg7 : memref<!tpu.dma_semaphore, #tpu.memory_space<semaphore_mem>>) src(%dma_wait3A_475 : memref<100000x16xf32, #tpu.memory_space<hbm>>) dst(%dma_wait3A_469 : memref<128x16xf32, #tpu.memory_space<vmem>>)
        %mul3A_476 = arith.constant 1920 : i32
        %mul3A_477 = arith.muli %and3A_69, %mul3A_476 : i32
        %add3A_478 = arith.constant 1792 : i32
        %add3A_479 = arith.addi %mul3A_477, %add3A_478 : i32
        %dma_wait3A_480 = arith.constant 14 : i32
        %dma_wait3A_481 = arith.constant 0 : i32
        %dma_wait3A_482 = tpu.memref_slice %arg6[%add3A_479, %dma_wait3A_481] : memref<3840x16xf32, #tpu.memory_space<vmem>> -> memref<128x16xf32, #tpu.memory_space<vmem>>
        %dma_wait3A_483 = arith.constant 0 : i32
        %dma_wait3A_484 = tpu.memref_slice %arg5[%dma_wait3A_480, %dma_wait3A_483] : memref<15x128xi32, #tpu.memory_space<vmem>> -> memref<1x128xi32, #tpu.memory_space<vmem>>
        %dma_wait3A_485 = tpu.memref_squeeze %dma_wait3A_484 : memref<1x128xi32, #tpu.memory_space<vmem>> -> memref<128xi32, #tpu.memory_space<vmem>>
        %dma_wait3A_486 = arith.constant 0 : i32
        %dma_wait3A_487 = arith.constant 0 : i32
        %dma_wait3A_488 = tpu.memref_slice %arg3[%dma_wait3A_486, %dma_wait3A_487] : memref<100000x16xf32, #tpu.memory_space<hbm>> -> memref<100000x16xf32, #tpu.memory_space<hbm>>
        tpu.wait_indirect_dma semaphore(%arg7 : memref<!tpu.dma_semaphore, #tpu.memory_space<semaphore_mem>>) src(%dma_wait3A_488 : memref<100000x16xf32, #tpu.memory_space<hbm>>) dst(%dma_wait3A_482 : memref<128x16xf32, #tpu.memory_space<vmem>>)
        %mul3A_489 = arith.constant 1 : i32
        %mul3A_490 = arith.muli %while3A_51, %mul3A_489 : i32
        %add3A_491 = arith.constant 0 : i32
        %add3A_492 = arith.addi %mul3A_490, %add3A_491 : i32
        %ge3A = arith.constant 1 : i32
        %ge3A_493 = arith.cmpi sge, %add3A_492, %ge3A : i32
        %convert_element_type3A_494 = arith.extui %ge3A_493 : i1 to i32
        %cond3A_495 = arith.constant 0 : i32
        %cond3A_496 = arith.cmpi ne, %convert_element_type3A_494, %cond3A_495 : i32
        scf.if %cond3A_496 {
          %sub3A_509 = arith.constant 1 : i32
          %sub3A_510 = arith.subi %sub3A_509, %and3A_69 : i32
          %mul3A_511 = arith.constant 1920 : i32
          %mul3A_512 = arith.muli %sub3A_510, %mul3A_511 : i32
          %dma_wait3A_513 = arith.constant 0 : i32
          %dma_wait3A_514 = tpu.memref_slice %arg6[%mul3A_512, %dma_wait3A_513] : memref<3840x16xf32, #tpu.memory_space<vmem>> -> memref<1920x16xf32, #tpu.memory_space<vmem>>
          %dma_wait3A_515 = arith.constant 0 : i32
          %dma_wait3A_516 = arith.constant 0 : i32
          %dma_wait3A_517 = tpu.memref_slice %arg4[%dma_wait3A_515, %dma_wait3A_516] : memref<1499520x16xf32, #tpu.memory_space<hbm>> -> memref<1920x16xf32, #tpu.memory_space<hbm>>
          %dma_wait3A_518 = arith.constant 0 : i32
          %dma_wait3A_519 = arith.constant 0 : i32
          %dma_wait3A_520 = tpu.memref_slice %arg4[%dma_wait3A_518, %dma_wait3A_519] : memref<1499520x16xf32, #tpu.memory_space<hbm>> -> memref<1920x16xf32, #tpu.memory_space<hbm>>
          %dma_wait3A_521 = arith.constant 0 : i32
          %dma_wait3A_522 = tpu.memref_slice %arg6[%mul3A_512, %dma_wait3A_521] : memref<3840x16xf32, #tpu.memory_space<vmem>> -> memref<1920x16xf32, #tpu.memory_space<vmem>>
          tpu.wait_dma2 semaphore(%arg8 : memref<!tpu.dma_semaphore, #tpu.memory_space<semaphore_mem>>) src(%dma_wait3A_522 : memref<1920x16xf32, #tpu.memory_space<vmem>>) dst(%dma_wait3A_520 : memref<1920x16xf32, #tpu.memory_space<hbm>>)
        } else {
        }
        %mul3A_497 = arith.constant 1920 : i32
        %mul3A_498 = arith.muli %and3A_69, %mul3A_497 : i32
        %mul3A_499 = arith.constant 1920 : i32
        %mul3A_500 = arith.muli %add3A_60, %mul3A_499 : i32
        %dma_start3A_501 = arith.constant 0 : i32
        %dma_start3A_502 = tpu.memref_slice %arg6[%mul3A_498, %dma_start3A_501] : memref<3840x16xf32, #tpu.memory_space<vmem>> -> memref<1920x16xf32, #tpu.memory_space<vmem>>
        %dma_start3A_503 = arith.constant 0 : i32
        %dma_start3A_504 = tpu.memref_slice %arg4[%mul3A_500, %dma_start3A_503] : memref<1499520x16xf32, #tpu.memory_space<hbm>> -> memref<1920x16xf32, #tpu.memory_space<hbm>>
        %dma_start3A_505 = arith.constant 0 : i32
        %dma_start3A_506 = tpu.memref_slice %arg4[%mul3A_500, %dma_start3A_505] : memref<1499520x16xf32, #tpu.memory_space<hbm>> -> memref<1920x16xf32, #tpu.memory_space<hbm>>
        %dma_start3A_507 = arith.constant 0 : i32
        %dma_start3A_508 = tpu.memref_slice %arg6[%mul3A_498, %dma_start3A_507] : memref<3840x16xf32, #tpu.memory_space<vmem>> -> memref<1920x16xf32, #tpu.memory_space<vmem>>
        tpu.enqueue_dma source(%dma_start3A_508 : memref<1920x16xf32, #tpu.memory_space<vmem>>) target(%dma_start3A_506 : memref<1920x16xf32, #tpu.memory_space<hbm>>) target_semaphore(%arg8 : memref<!tpu.dma_semaphore, #tpu.memory_space<semaphore_mem>>)
      } else {
      }
    }
    %while3A_39 = arith.constant 1 : i32
    scf.for %while3A_51 = %while3A_37 to %while3A_33 step %while3A_39  : i32 {
      %mul3A_52 = arith.constant 1 : i32
      %mul3A_53 = arith.muli %while3A_51, %mul3A_52 : i32
      %add3A_54 = arith.addi %add3A_4, %mul3A_53 : i32
      %min3A_55 = arith.constant 780 : i32
      %min3A_56 = arith.minsi %add3A_54, %min3A_55 : i32
      %mul3A_57 = arith.constant 128 : i32
      %mul3A_58 = arith.muli %min3A_56, %mul3A_57 : i32
      "tpu.region"() ({
        %run_scoped3A = tpu.sem_alloc : memref<!tpu.dma_semaphore, #tpu.memory_space<semaphore_mem>>
        %dma_start3A = arith.constant 0 : i32
        %dma_start3A_64 = tpu.memref_slice %arg2[%dma_start3A, %mul3A_58] : memref<15x99985xi32, #tpu.memory_space<hbm>> -> memref<15x128xi32, #tpu.memory_space<hbm>>
        %dma_start3A_65 = arith.constant 0 : i32
        %dma_start3A_66 = tpu.memref_slice %arg2[%dma_start3A_65, %mul3A_58] : memref<15x99985xi32, #tpu.memory_space<hbm>> -> memref<15x128xi32, #tpu.memory_space<hbm>>
        tpu.enqueue_dma source(%dma_start3A_66 : memref<15x128xi32, #tpu.memory_space<hbm>>) target(%arg5 : memref<15x128xi32, #tpu.memory_space<vmem>>) target_semaphore(%run_scoped3A : memref<!tpu.dma_semaphore, #tpu.memory_space<semaphore_mem>>)
        %dma_wait3A_67 = arith.constant 0 : i32
        %dma_wait3A_68 = tpu.memref_slice %arg2[%dma_wait3A_67, %mul3A_58] : memref<15x99985xi32, #tpu.memory_space<hbm>> -> memref<15x128xi32, #tpu.memory_space<hbm>>
        %dma_wait3A_69 = arith.constant 0 : i32
        %dma_wait3A_70 = tpu.memref_slice %arg2[%dma_wait3A_69, %mul3A_58] : memref<15x99985xi32, #tpu.memory_space<hbm>> -> memref<15x128xi32, #tpu.memory_space<hbm>>
        tpu.wait_dma2 semaphore(%run_scoped3A : memref<!tpu.dma_semaphore, #tpu.memory_space<semaphore_mem>>) src(%dma_wait3A_70 : memref<15x128xi32, #tpu.memory_space<hbm>>) dst(%arg5 : memref<15x128xi32, #tpu.memory_space<vmem>>)
        tpu.yield
      }) : () -> ()
      %add3A_59 = arith.constant 0 : i32
      %add3A_60 = arith.addi %add3A_54, %add3A_59 : i32
      %add3A_61 = arith.addi %add3A_4, %add3A_8 : i32
      %lt3A_62 = arith.cmpi slt, %add3A_60, %add3A_61 : i32
      %convert_element_type3A = arith.extui %lt3A_62 : i1 to i32
      %cond3A = arith.constant 0 : i32
      %cond3A_63 = arith.cmpi ne, %convert_element_type3A, %cond3A : i32
      scf.if %cond3A_63 {
        %mul3A_64 = arith.constant 1 : i32
        %mul3A_65 = arith.muli %while3A_51, %mul3A_64 : i32
        %add3A_66 = arith.constant 0 : i32
        %add3A_67 = arith.addi %mul3A_65, %add3A_66 : i32
        %and3A_68 = arith.constant 1 : i32
        %and3A_69 = arith.andi %add3A_67, %and3A_68 : i32
        %sub3A_70 = arith.subi %add3A_60, %min3A_56 : i32
        %mul3A_71 = arith.constant 128 : i32
        %mul3A_72 = arith.muli %sub3A_70, %mul3A_71 : i32
        %mul3A_73 = arith.constant 1920 : i32
        %mul3A_74 = arith.muli %and3A_69, %mul3A_73 : i32
        %add3A_75 = arith.constant 0 : i32
        %add3A_76 = arith.addi %mul3A_74, %add3A_75 : i32
        %dma_start3A = arith.constant 0 : i32
        %dma_start3A_77 = arith.constant 0 : i32
        %dma_start3A_78 = tpu.memref_slice %arg6[%add3A_76, %dma_start3A_77] : memref<3840x16xf32, #tpu.memory_space<vmem>> -> memref<128x16xf32, #tpu.memory_space<vmem>>
        %dma_start3A_79 = tpu.memref_slice %arg5[%dma_start3A, %mul3A_72] : memref<15x128xi32, #tpu.memory_space<vmem>> -> memref<1x128xi32, #tpu.memory_space<vmem>>
        %dma_start3A_80 = tpu.memref_squeeze %dma_start3A_79 : memref<1x128xi32, #tpu.memory_space<vmem>> -> memref<128xi32, #tpu.memory_space<vmem>>
        %dma_start3A_81 = arith.constant 0 : i32
        %dma_start3A_82 = arith.constant 0 : i32
        %dma_start3A_83 = tpu.memref_slice %arg3[%dma_start3A_81, %dma_start3A_82] : memref<100000x16xf32, #tpu.memory_space<hbm>> -> memref<100000x16xf32, #tpu.memory_space<hbm>>
        tpu.enqueue_indirect_dma source(%dma_start3A_83 : memref<100000x16xf32, #tpu.memory_space<hbm>>) target(%dma_start3A_78 : memref<128x16xf32, #tpu.memory_space<vmem>>) offsets(%dma_start3A_80 : memref<128xi32, #tpu.memory_space<vmem>>) semaphore(%arg7 : memref<!tpu.dma_semaphore, #tpu.memory_space<semaphore_mem>>)
        %sub3A_84 = arith.subi %add3A_60, %min3A_56 : i32
        %mul3A_85 = arith.constant 128 : i32
        %mul3A_86 = arith.muli %sub3A_84, %mul3A_85 : i32
        %mul3A_87 = arith.constant 1920 : i32
        %mul3A_88 = arith.muli %and3A_69, %mul3A_87 : i32
        %add3A_89 = arith.constant 128 : i32
        %add3A_90 = arith.addi %mul3A_88, %add3A_89 : i32
        %dma_start3A_91 = arith.constant 1 : i32
        %dma_start3A_92 = arith.constant 0 : i32
        %dma_start3A_93 = tpu.memref_slice %arg6[%add3A_90, %dma_start3A_92] : memref<3840x16xf32, #tpu.memory_space<vmem>> -> memref<128x16xf32, #tpu.memory_space<vmem>>
        %dma_start3A_94 = tpu.memref_slice %arg5[%dma_start3A_91, %mul3A_86] : memref<15x128xi32, #tpu.memory_space<vmem>> -> memref<1x128xi32, #tpu.memory_space<vmem>>
        %dma_start3A_95 = tpu.memref_squeeze %dma_start3A_94 : memref<1x128xi32, #tpu.memory_space<vmem>> -> memref<128xi32, #tpu.memory_space<vmem>>
        %dma_start3A_96 = arith.constant 0 : i32
        %dma_start3A_97 = arith.constant 0 : i32
        %dma_start3A_98 = tpu.memref_slice %arg3[%dma_start3A_96, %dma_start3A_97] : memref<100000x16xf32, #tpu.memory_space<hbm>> -> memref<100000x16xf32, #tpu.memory_space<hbm>>
        tpu.enqueue_indirect_dma source(%dma_start3A_98 : memref<100000x16xf32, #tpu.memory_space<hbm>>) target(%dma_start3A_93 : memref<128x16xf32, #tpu.memory_space<vmem>>) offsets(%dma_start3A_95 : memref<128xi32, #tpu.memory_space<vmem>>) semaphore(%arg7 : memref<!tpu.dma_semaphore, #tpu.memory_space<semaphore_mem>>)
        %sub3A_99 = arith.subi %add3A_60, %min3A_56 : i32
        %mul3A_100 = arith.constant 128 : i32
        %mul3A_101 = arith.muli %sub3A_99, %mul3A_100 : i32
        %mul3A_102 = arith.constant 1920 : i32
        %mul3A_103 = arith.muli %and3A_69, %mul3A_102 : i32
        %add3A_104 = arith.constant 256 : i32
        %add3A_105 = arith.addi %mul3A_103, %add3A_104 : i32
        %dma_start3A_106 = arith.constant 2 : i32
        %dma_start3A_107 = arith.constant 0 : i32
        %dma_start3A_108 = tpu.memref_slice %arg6[%add3A_105, %dma_start3A_107] : memref<3840x16xf32, #tpu.memory_space<vmem>> -> memref<128x16xf32, #tpu.memory_space<vmem>>
        %dma_start3A_109 = tpu.memref_slice %arg5[%dma_start3A_106, %mul3A_101] : memref<15x128xi32, #tpu.memory_space<vmem>> -> memref<1x128xi32, #tpu.memory_space<vmem>>
        %dma_start3A_110 = tpu.memref_squeeze %dma_start3A_109 : memref<1x128xi32, #tpu.memory_space<vmem>> -> memref<128xi32, #tpu.memory_space<vmem>>
        %dma_start3A_111 = arith.constant 0 : i32
        %dma_start3A_112 = arith.constant 0 : i32
        %dma_start3A_113 = tpu.memref_slice %arg3[%dma_start3A_111, %dma_start3A_112] : memref<100000x16xf32, #tpu.memory_space<hbm>> -> memref<100000x16xf32, #tpu.memory_space<hbm>>
        tpu.enqueue_indirect_dma source(%dma_start3A_113 : memref<100000x16xf32, #tpu.memory_space<hbm>>) target(%dma_start3A_108 : memref<128x16xf32, #tpu.memory_space<vmem>>) offsets(%dma_start3A_110 : memref<128xi32, #tpu.memory_space<vmem>>) semaphore(%arg7 : memref<!tpu.dma_semaphore, #tpu.memory_space<semaphore_mem>>)
        %sub3A_114 = arith.subi %add3A_60, %min3A_56 : i32
        %mul3A_115 = arith.constant 128 : i32
        %mul3A_116 = arith.muli %sub3A_114, %mul3A_115 : i32
        %mul3A_117 = arith.constant 1920 : i32
        %mul3A_118 = arith.muli %and3A_69, %mul3A_117 : i32
        %add3A_119 = arith.constant 384 : i32
        %add3A_120 = arith.addi %mul3A_118, %add3A_119 : i32
        %dma_start3A_121 = arith.constant 3 : i32
        %dma_start3A_122 = arith.constant 0 : i32
        %dma_start3A_123 = tpu.memref_slice %arg6[%add3A_120, %dma_start3A_122] : memref<3840x16xf32, #tpu.memory_space<vmem>> -> memref<128x16xf32, #tpu.memory_space<vmem>>
        %dma_start3A_124 = tpu.memref_slice %arg5[%dma_start3A_121, %mul3A_116] : memref<15x128xi32, #tpu.memory_space<vmem>> -> memref<1x128xi32, #tpu.memory_space<vmem>>
        %dma_start3A_125 = tpu.memref_squeeze %dma_start3A_124 : memref<1x128xi32, #tpu.memory_space<vmem>> -> memref<128xi32, #tpu.memory_space<vmem>>
        %dma_start3A_126 = arith.constant 0 : i32
        %dma_start3A_127 = arith.constant 0 : i32
        %dma_start3A_128 = tpu.memref_slice %arg3[%dma_start3A_126, %dma_start3A_127] : memref<100000x16xf32, #tpu.memory_space<hbm>> -> memref<100000x16xf32, #tpu.memory_space<hbm>>
        tpu.enqueue_indirect_dma source(%dma_start3A_128 : memref<100000x16xf32, #tpu.memory_space<hbm>>) target(%dma_start3A_123 : memref<128x16xf32, #tpu.memory_space<vmem>>) offsets(%dma_start3A_125 : memref<128xi32, #tpu.memory_space<vmem>>) semaphore(%arg7 : memref<!tpu.dma_semaphore, #tpu.memory_space<semaphore_mem>>)
        %sub3A_129 = arith.subi %add3A_60, %min3A_56 : i32
        %mul3A_130 = arith.constant 128 : i32
        %mul3A_131 = arith.muli %sub3A_129, %mul3A_130 : i32
        %mul3A_132 = arith.constant 1920 : i32
        %mul3A_133 = arith.muli %and3A_69, %mul3A_132 : i32
        %add3A_134 = arith.constant 512 : i32
        %add3A_135 = arith.addi %mul3A_133, %add3A_134 : i32
        %dma_start3A_136 = arith.constant 4 : i32
        %dma_start3A_137 = arith.constant 0 : i32
        %dma_start3A_138 = tpu.memref_slice %arg6[%add3A_135, %dma_start3A_137] : memref<3840x16xf32, #tpu.memory_space<vmem>> -> memref<128x16xf32, #tpu.memory_space<vmem>>
        %dma_start3A_139 = tpu.memref_slice %arg5[%dma_start3A_136, %mul3A_131] : memref<15x128xi32, #tpu.memory_space<vmem>> -> memref<1x128xi32, #tpu.memory_space<vmem>>
        %dma_start3A_140 = tpu.memref_squeeze %dma_start3A_139 : memref<1x128xi32, #tpu.memory_space<vmem>> -> memref<128xi32, #tpu.memory_space<vmem>>
        %dma_start3A_141 = arith.constant 0 : i32
        %dma_start3A_142 = arith.constant 0 : i32
        %dma_start3A_143 = tpu.memref_slice %arg3[%dma_start3A_141, %dma_start3A_142] : memref<100000x16xf32, #tpu.memory_space<hbm>> -> memref<100000x16xf32, #tpu.memory_space<hbm>>
        tpu.enqueue_indirect_dma source(%dma_start3A_143 : memref<100000x16xf32, #tpu.memory_space<hbm>>) target(%dma_start3A_138 : memref<128x16xf32, #tpu.memory_space<vmem>>) offsets(%dma_start3A_140 : memref<128xi32, #tpu.memory_space<vmem>>) semaphore(%arg7 : memref<!tpu.dma_semaphore, #tpu.memory_space<semaphore_mem>>)
        %sub3A_144 = arith.subi %add3A_60, %min3A_56 : i32
        %mul3A_145 = arith.constant 128 : i32
        %mul3A_146 = arith.muli %sub3A_144, %mul3A_145 : i32
        %mul3A_147 = arith.constant 1920 : i32
        %mul3A_148 = arith.muli %and3A_69, %mul3A_147 : i32
        %add3A_149 = arith.constant 640 : i32
        %add3A_150 = arith.addi %mul3A_148, %add3A_149 : i32
        %dma_start3A_151 = arith.constant 5 : i32
        %dma_start3A_152 = arith.constant 0 : i32
        %dma_start3A_153 = tpu.memref_slice %arg6[%add3A_150, %dma_start3A_152] : memref<3840x16xf32, #tpu.memory_space<vmem>> -> memref<128x16xf32, #tpu.memory_space<vmem>>
        %dma_start3A_154 = tpu.memref_slice %arg5[%dma_start3A_151, %mul3A_146] : memref<15x128xi32, #tpu.memory_space<vmem>> -> memref<1x128xi32, #tpu.memory_space<vmem>>
        %dma_start3A_155 = tpu.memref_squeeze %dma_start3A_154 : memref<1x128xi32, #tpu.memory_space<vmem>> -> memref<128xi32, #tpu.memory_space<vmem>>
        %dma_start3A_156 = arith.constant 0 : i32
        %dma_start3A_157 = arith.constant 0 : i32
        %dma_start3A_158 = tpu.memref_slice %arg3[%dma_start3A_156, %dma_start3A_157] : memref<100000x16xf32, #tpu.memory_space<hbm>> -> memref<100000x16xf32, #tpu.memory_space<hbm>>
        tpu.enqueue_indirect_dma source(%dma_start3A_158 : memref<100000x16xf32, #tpu.memory_space<hbm>>) target(%dma_start3A_153 : memref<128x16xf32, #tpu.memory_space<vmem>>) offsets(%dma_start3A_155 : memref<128xi32, #tpu.memory_space<vmem>>) semaphore(%arg7 : memref<!tpu.dma_semaphore, #tpu.memory_space<semaphore_mem>>)
        %sub3A_159 = arith.subi %add3A_60, %min3A_56 : i32
        %mul3A_160 = arith.constant 128 : i32
        %mul3A_161 = arith.muli %sub3A_159, %mul3A_160 : i32
        %mul3A_162 = arith.constant 1920 : i32
        %mul3A_163 = arith.muli %and3A_69, %mul3A_162 : i32
        %add3A_164 = arith.constant 768 : i32
        %add3A_165 = arith.addi %mul3A_163, %add3A_164 : i32
        %dma_start3A_166 = arith.constant 6 : i32
        %dma_start3A_167 = arith.constant 0 : i32
        %dma_start3A_168 = tpu.memref_slice %arg6[%add3A_165, %dma_start3A_167] : memref<3840x16xf32, #tpu.memory_space<vmem>> -> memref<128x16xf32, #tpu.memory_space<vmem>>
        %dma_start3A_169 = tpu.memref_slice %arg5[%dma_start3A_166, %mul3A_161] : memref<15x128xi32, #tpu.memory_space<vmem>> -> memref<1x128xi32, #tpu.memory_space<vmem>>
        %dma_start3A_170 = tpu.memref_squeeze %dma_start3A_169 : memref<1x128xi32, #tpu.memory_space<vmem>> -> memref<128xi32, #tpu.memory_space<vmem>>
        %dma_start3A_171 = arith.constant 0 : i32
        %dma_start3A_172 = arith.constant 0 : i32
        %dma_start3A_173 = tpu.memref_slice %arg3[%dma_start3A_171, %dma_start3A_172] : memref<100000x16xf32, #tpu.memory_space<hbm>> -> memref<100000x16xf32, #tpu.memory_space<hbm>>
        tpu.enqueue_indirect_dma source(%dma_start3A_173 : memref<100000x16xf32, #tpu.memory_space<hbm>>) target(%dma_start3A_168 : memref<128x16xf32, #tpu.memory_space<vmem>>) offsets(%dma_start3A_170 : memref<128xi32, #tpu.memory_space<vmem>>) semaphore(%arg7 : memref<!tpu.dma_semaphore, #tpu.memory_space<semaphore_mem>>)
        %sub3A_174 = arith.subi %add3A_60, %min3A_56 : i32
        %mul3A_175 = arith.constant 128 : i32
        %mul3A_176 = arith.muli %sub3A_174, %mul3A_175 : i32
        %mul3A_177 = arith.constant 1920 : i32
        %mul3A_178 = arith.muli %and3A_69, %mul3A_177 : i32
        %add3A_179 = arith.constant 896 : i32
        %add3A_180 = arith.addi %mul3A_178, %add3A_179 : i32
        %dma_start3A_181 = arith.constant 7 : i32
        %dma_start3A_182 = arith.constant 0 : i32
        %dma_start3A_183 = tpu.memref_slice %arg6[%add3A_180, %dma_start3A_182] : memref<3840x16xf32, #tpu.memory_space<vmem>> -> memref<128x16xf32, #tpu.memory_space<vmem>>
        %dma_start3A_184 = tpu.memref_slice %arg5[%dma_start3A_181, %mul3A_176] : memref<15x128xi32, #tpu.memory_space<vmem>> -> memref<1x128xi32, #tpu.memory_space<vmem>>
        %dma_start3A_185 = tpu.memref_squeeze %dma_start3A_184 : memref<1x128xi32, #tpu.memory_space<vmem>> -> memref<128xi32, #tpu.memory_space<vmem>>
        %dma_start3A_186 = arith.constant 0 : i32
        %dma_start3A_187 = arith.constant 0 : i32
        %dma_start3A_188 = tpu.memref_slice %arg3[%dma_start3A_186, %dma_start3A_187] : memref<100000x16xf32, #tpu.memory_space<hbm>> -> memref<100000x16xf32, #tpu.memory_space<hbm>>
        tpu.enqueue_indirect_dma source(%dma_start3A_188 : memref<100000x16xf32, #tpu.memory_space<hbm>>) target(%dma_start3A_183 : memref<128x16xf32, #tpu.memory_space<vmem>>) offsets(%dma_start3A_185 : memref<128xi32, #tpu.memory_space<vmem>>) semaphore(%arg7 : memref<!tpu.dma_semaphore, #tpu.memory_space<semaphore_mem>>)
        %sub3A_189 = arith.subi %add3A_60, %min3A_56 : i32
        %mul3A_190 = arith.constant 128 : i32
        %mul3A_191 = arith.muli %sub3A_189, %mul3A_190 : i32
        %mul3A_192 = arith.constant 1920 : i32
        %mul3A_193 = arith.muli %and3A_69, %mul3A_192 : i32
        %add3A_194 = arith.constant 1024 : i32
        %add3A_195 = arith.addi %mul3A_193, %add3A_194 : i32
        %dma_start3A_196 = arith.constant 8 : i32
        %dma_start3A_197 = arith.constant 0 : i32
        %dma_start3A_198 = tpu.memref_slice %arg6[%add3A_195, %dma_start3A_197] : memref<3840x16xf32, #tpu.memory_space<vmem>> -> memref<128x16xf32, #tpu.memory_space<vmem>>
        %dma_start3A_199 = tpu.memref_slice %arg5[%dma_start3A_196, %mul3A_191] : memref<15x128xi32, #tpu.memory_space<vmem>> -> memref<1x128xi32, #tpu.memory_space<vmem>>
        %dma_start3A_200 = tpu.memref_squeeze %dma_start3A_199 : memref<1x128xi32, #tpu.memory_space<vmem>> -> memref<128xi32, #tpu.memory_space<vmem>>
        %dma_start3A_201 = arith.constant 0 : i32
        %dma_start3A_202 = arith.constant 0 : i32
        %dma_start3A_203 = tpu.memref_slice %arg3[%dma_start3A_201, %dma_start3A_202] : memref<100000x16xf32, #tpu.memory_space<hbm>> -> memref<100000x16xf32, #tpu.memory_space<hbm>>
        tpu.enqueue_indirect_dma source(%dma_start3A_203 : memref<100000x16xf32, #tpu.memory_space<hbm>>) target(%dma_start3A_198 : memref<128x16xf32, #tpu.memory_space<vmem>>) offsets(%dma_start3A_200 : memref<128xi32, #tpu.memory_space<vmem>>) semaphore(%arg7 : memref<!tpu.dma_semaphore, #tpu.memory_space<semaphore_mem>>)
        %sub3A_204 = arith.subi %add3A_60, %min3A_56 : i32
        %mul3A_205 = arith.constant 128 : i32
        %mul3A_206 = arith.muli %sub3A_204, %mul3A_205 : i32
        %mul3A_207 = arith.constant 1920 : i32
        %mul3A_208 = arith.muli %and3A_69, %mul3A_207 : i32
        %add3A_209 = arith.constant 1152 : i32
        %add3A_210 = arith.addi %mul3A_208, %add3A_209 : i32
        %dma_start3A_211 = arith.constant 9 : i32
        %dma_start3A_212 = arith.constant 0 : i32
        %dma_start3A_213 = tpu.memref_slice %arg6[%add3A_210, %dma_start3A_212] : memref<3840x16xf32, #tpu.memory_space<vmem>> -> memref<128x16xf32, #tpu.memory_space<vmem>>
        %dma_start3A_214 = tpu.memref_slice %arg5[%dma_start3A_211, %mul3A_206] : memref<15x128xi32, #tpu.memory_space<vmem>> -> memref<1x128xi32, #tpu.memory_space<vmem>>
        %dma_start3A_215 = tpu.memref_squeeze %dma_start3A_214 : memref<1x128xi32, #tpu.memory_space<vmem>> -> memref<128xi32, #tpu.memory_space<vmem>>
        %dma_start3A_216 = arith.constant 0 : i32
        %dma_start3A_217 = arith.constant 0 : i32
        %dma_start3A_218 = tpu.memref_slice %arg3[%dma_start3A_216, %dma_start3A_217] : memref<100000x16xf32, #tpu.memory_space<hbm>> -> memref<100000x16xf32, #tpu.memory_space<hbm>>
        tpu.enqueue_indirect_dma source(%dma_start3A_218 : memref<100000x16xf32, #tpu.memory_space<hbm>>) target(%dma_start3A_213 : memref<128x16xf32, #tpu.memory_space<vmem>>) offsets(%dma_start3A_215 : memref<128xi32, #tpu.memory_space<vmem>>) semaphore(%arg7 : memref<!tpu.dma_semaphore, #tpu.memory_space<semaphore_mem>>)
        %sub3A_219 = arith.subi %add3A_60, %min3A_56 : i32
        %mul3A_220 = arith.constant 128 : i32
        %mul3A_221 = arith.muli %sub3A_219, %mul3A_220 : i32
        %mul3A_222 = arith.constant 1920 : i32
        %mul3A_223 = arith.muli %and3A_69, %mul3A_222 : i32
        %add3A_224 = arith.constant 1280 : i32
        %add3A_225 = arith.addi %mul3A_223, %add3A_224 : i32
        %dma_start3A_226 = arith.constant 10 : i32
        %dma_start3A_227 = arith.constant 0 : i32
        %dma_start3A_228 = tpu.memref_slice %arg6[%add3A_225, %dma_start3A_227] : memref<3840x16xf32, #tpu.memory_space<vmem>> -> memref<128x16xf32, #tpu.memory_space<vmem>>
        %dma_start3A_229 = tpu.memref_slice %arg5[%dma_start3A_226, %mul3A_221] : memref<15x128xi32, #tpu.memory_space<vmem>> -> memref<1x128xi32, #tpu.memory_space<vmem>>
        %dma_start3A_230 = tpu.memref_squeeze %dma_start3A_229 : memref<1x128xi32, #tpu.memory_space<vmem>> -> memref<128xi32, #tpu.memory_space<vmem>>
        %dma_start3A_231 = arith.constant 0 : i32
        %dma_start3A_232 = arith.constant 0 : i32
        %dma_start3A_233 = tpu.memref_slice %arg3[%dma_start3A_231, %dma_start3A_232] : memref<100000x16xf32, #tpu.memory_space<hbm>> -> memref<100000x16xf32, #tpu.memory_space<hbm>>
        tpu.enqueue_indirect_dma source(%dma_start3A_233 : memref<100000x16xf32, #tpu.memory_space<hbm>>) target(%dma_start3A_228 : memref<128x16xf32, #tpu.memory_space<vmem>>) offsets(%dma_start3A_230 : memref<128xi32, #tpu.memory_space<vmem>>) semaphore(%arg7 : memref<!tpu.dma_semaphore, #tpu.memory_space<semaphore_mem>>)
        %sub3A_234 = arith.subi %add3A_60, %min3A_56 : i32
        %mul3A_235 = arith.constant 128 : i32
        %mul3A_236 = arith.muli %sub3A_234, %mul3A_235 : i32
        %mul3A_237 = arith.constant 1920 : i32
        %mul3A_238 = arith.muli %and3A_69, %mul3A_237 : i32
        %add3A_239 = arith.constant 1408 : i32
        %add3A_240 = arith.addi %mul3A_238, %add3A_239 : i32
        %dma_start3A_241 = arith.constant 11 : i32
        %dma_start3A_242 = arith.constant 0 : i32
        %dma_start3A_243 = tpu.memref_slice %arg6[%add3A_240, %dma_start3A_242] : memref<3840x16xf32, #tpu.memory_space<vmem>> -> memref<128x16xf32, #tpu.memory_space<vmem>>
        %dma_start3A_244 = tpu.memref_slice %arg5[%dma_start3A_241, %mul3A_236] : memref<15x128xi32, #tpu.memory_space<vmem>> -> memref<1x128xi32, #tpu.memory_space<vmem>>
        %dma_start3A_245 = tpu.memref_squeeze %dma_start3A_244 : memref<1x128xi32, #tpu.memory_space<vmem>> -> memref<128xi32, #tpu.memory_space<vmem>>
        %dma_start3A_246 = arith.constant 0 : i32
        %dma_start3A_247 = arith.constant 0 : i32
        %dma_start3A_248 = tpu.memref_slice %arg3[%dma_start3A_246, %dma_start3A_247] : memref<100000x16xf32, #tpu.memory_space<hbm>> -> memref<100000x16xf32, #tpu.memory_space<hbm>>
        tpu.enqueue_indirect_dma source(%dma_start3A_248 : memref<100000x16xf32, #tpu.memory_space<hbm>>) target(%dma_start3A_243 : memref<128x16xf32, #tpu.memory_space<vmem>>) offsets(%dma_start3A_245 : memref<128xi32, #tpu.memory_space<vmem>>) semaphore(%arg7 : memref<!tpu.dma_semaphore, #tpu.memory_space<semaphore_mem>>)
        %sub3A_249 = arith.subi %add3A_60, %min3A_56 : i32
        %mul3A_250 = arith.constant 128 : i32
        %mul3A_251 = arith.muli %sub3A_249, %mul3A_250 : i32
        %mul3A_252 = arith.constant 1920 : i32
        %mul3A_253 = arith.muli %and3A_69, %mul3A_252 : i32
        %add3A_254 = arith.constant 1536 : i32
        %add3A_255 = arith.addi %mul3A_253, %add3A_254 : i32
        %dma_start3A_256 = arith.constant 12 : i32
        %dma_start3A_257 = arith.constant 0 : i32
        %dma_start3A_258 = tpu.memref_slice %arg6[%add3A_255, %dma_start3A_257] : memref<3840x16xf32, #tpu.memory_space<vmem>> -> memref<128x16xf32, #tpu.memory_space<vmem>>
        %dma_start3A_259 = tpu.memref_slice %arg5[%dma_start3A_256, %mul3A_251] : memref<15x128xi32, #tpu.memory_space<vmem>> -> memref<1x128xi32, #tpu.memory_space<vmem>>
        %dma_start3A_260 = tpu.memref_squeeze %dma_start3A_259 : memref<1x128xi32, #tpu.memory_space<vmem>> -> memref<128xi32, #tpu.memory_space<vmem>>
        %dma_start3A_261 = arith.constant 0 : i32
        %dma_start3A_262 = arith.constant 0 : i32
        %dma_start3A_263 = tpu.memref_slice %arg3[%dma_start3A_261, %dma_start3A_262] : memref<100000x16xf32, #tpu.memory_space<hbm>> -> memref<100000x16xf32, #tpu.memory_space<hbm>>
        tpu.enqueue_indirect_dma source(%dma_start3A_263 : memref<100000x16xf32, #tpu.memory_space<hbm>>) target(%dma_start3A_258 : memref<128x16xf32, #tpu.memory_space<vmem>>) offsets(%dma_start3A_260 : memref<128xi32, #tpu.memory_space<vmem>>) semaphore(%arg7 : memref<!tpu.dma_semaphore, #tpu.memory_space<semaphore_mem>>)
        %sub3A_264 = arith.subi %add3A_60, %min3A_56 : i32
        %mul3A_265 = arith.constant 128 : i32
        %mul3A_266 = arith.muli %sub3A_264, %mul3A_265 : i32
        %mul3A_267 = arith.constant 1920 : i32
        %mul3A_268 = arith.muli %and3A_69, %mul3A_267 : i32
        %add3A_269 = arith.constant 1664 : i32
        %add3A_270 = arith.addi %mul3A_268, %add3A_269 : i32
        %dma_start3A_271 = arith.constant 13 : i32
        %dma_start3A_272 = arith.constant 0 : i32
        %dma_start3A_273 = tpu.memref_slice %arg6[%add3A_270, %dma_start3A_272] : memref<3840x16xf32, #tpu.memory_space<vmem>> -> memref<128x16xf32, #tpu.memory_space<vmem>>
        %dma_start3A_274 = tpu.memref_slice %arg5[%dma_start3A_271, %mul3A_266] : memref<15x128xi32, #tpu.memory_space<vmem>> -> memref<1x128xi32, #tpu.memory_space<vmem>>
        %dma_start3A_275 = tpu.memref_squeeze %dma_start3A_274 : memref<1x128xi32, #tpu.memory_space<vmem>> -> memref<128xi32, #tpu.memory_space<vmem>>
        %dma_start3A_276 = arith.constant 0 : i32
        %dma_start3A_277 = arith.constant 0 : i32
        %dma_start3A_278 = tpu.memref_slice %arg3[%dma_start3A_276, %dma_start3A_277] : memref<100000x16xf32, #tpu.memory_space<hbm>> -> memref<100000x16xf32, #tpu.memory_space<hbm>>
        tpu.enqueue_indirect_dma source(%dma_start3A_278 : memref<100000x16xf32, #tpu.memory_space<hbm>>) target(%dma_start3A_273 : memref<128x16xf32, #tpu.memory_space<vmem>>) offsets(%dma_start3A_275 : memref<128xi32, #tpu.memory_space<vmem>>) semaphore(%arg7 : memref<!tpu.dma_semaphore, #tpu.memory_space<semaphore_mem>>)
        %sub3A_279 = arith.subi %add3A_60, %min3A_56 : i32
        %mul3A_280 = arith.constant 128 : i32
        %mul3A_281 = arith.muli %sub3A_279, %mul3A_280 : i32
        %mul3A_282 = arith.constant 1920 : i32
        %mul3A_283 = arith.muli %and3A_69, %mul3A_282 : i32
        %add3A_284 = arith.constant 1792 : i32
        %add3A_285 = arith.addi %mul3A_283, %add3A_284 : i32
        %dma_start3A_286 = arith.constant 14 : i32
        %dma_start3A_287 = arith.constant 0 : i32
        %dma_start3A_288 = tpu.memref_slice %arg6[%add3A_285, %dma_start3A_287] : memref<3840x16xf32, #tpu.memory_space<vmem>> -> memref<128x16xf32, #tpu.memory_space<vmem>>
        %dma_start3A_289 = tpu.memref_slice %arg5[%dma_start3A_286, %mul3A_281] : memref<15x128xi32, #tpu.memory_space<vmem>> -> memref<1x128xi32, #tpu.memory_space<vmem>>
        %dma_start3A_290 = tpu.memref_squeeze %dma_start3A_289 : memref<1x128xi32, #tpu.memory_space<vmem>> -> memref<128xi32, #tpu.memory_space<vmem>>
        %dma_start3A_291 = arith.constant 0 : i32
        %dma_start3A_292 = arith.constant 0 : i32
        %dma_start3A_293 = tpu.memref_slice %arg3[%dma_start3A_291, %dma_start3A_292] : memref<100000x16xf32, #tpu.memory_space<hbm>> -> memref<100000x16xf32, #tpu.memory_space<hbm>>
        tpu.enqueue_indirect_dma source(%dma_start3A_293 : memref<100000x16xf32, #tpu.memory_space<hbm>>) target(%dma_start3A_288 : memref<128x16xf32, #tpu.memory_space<vmem>>) offsets(%dma_start3A_290 : memref<128xi32, #tpu.memory_space<vmem>>) semaphore(%arg7 : memref<!tpu.dma_semaphore, #tpu.memory_space<semaphore_mem>>)
        %mul3A_294 = arith.constant 1920 : i32
        %mul3A_295 = arith.muli %and3A_69, %mul3A_294 : i32
        %add3A_296 = arith.constant 0 : i32
        %add3A_297 = arith.addi %mul3A_295, %add3A_296 : i32
        %dma_wait3A_298 = arith.constant 0 : i32
        %dma_wait3A_299 = arith.constant 0 : i32
        %dma_wait3A_300 = tpu.memref_slice %arg6[%add3A_297, %dma_wait3A_299] : memref<3840x16xf32, #tpu.memory_space<vmem>> -> memref<128x16xf32, #tpu.memory_space<vmem>>
        %dma_wait3A_301 = arith.constant 0 : i32
        %dma_wait3A_302 = tpu.memref_slice %arg5[%dma_wait3A_298, %dma_wait3A_301] : memref<15x128xi32, #tpu.memory_space<vmem>> -> memref<1x128xi32, #tpu.memory_space<vmem>>
        %dma_wait3A_303 = tpu.memref_squeeze %dma_wait3A_302 : memref<1x128xi32, #tpu.memory_space<vmem>> -> memref<128xi32, #tpu.memory_space<vmem>>
        %dma_wait3A_304 = arith.constant 0 : i32
        %dma_wait3A_305 = arith.constant 0 : i32
        %dma_wait3A_306 = tpu.memref_slice %arg3[%dma_wait3A_304, %dma_wait3A_305] : memref<100000x16xf32, #tpu.memory_space<hbm>> -> memref<100000x16xf32, #tpu.memory_space<hbm>>
        tpu.wait_indirect_dma semaphore(%arg7 : memref<!tpu.dma_semaphore, #tpu.memory_space<semaphore_mem>>) src(%dma_wait3A_306 : memref<100000x16xf32, #tpu.memory_space<hbm>>) dst(%dma_wait3A_300 : memref<128x16xf32, #tpu.memory_space<vmem>>)
        %mul3A_307 = arith.constant 1920 : i32
        %mul3A_308 = arith.muli %and3A_69, %mul3A_307 : i32
        %add3A_309 = arith.constant 128 : i32
        %add3A_310 = arith.addi %mul3A_308, %add3A_309 : i32
        %dma_wait3A_311 = arith.constant 1 : i32
        %dma_wait3A_312 = arith.constant 0 : i32
        %dma_wait3A_313 = tpu.memref_slice %arg6[%add3A_310, %dma_wait3A_312] : memref<3840x16xf32, #tpu.memory_space<vmem>> -> memref<128x16xf32, #tpu.memory_space<vmem>>
        %dma_wait3A_314 = arith.constant 0 : i32
        %dma_wait3A_315 = tpu.memref_slice %arg5[%dma_wait3A_311, %dma_wait3A_314] : memref<15x128xi32, #tpu.memory_space<vmem>> -> memref<1x128xi32, #tpu.memory_space<vmem>>
        %dma_wait3A_316 = tpu.memref_squeeze %dma_wait3A_315 : memref<1x128xi32, #tpu.memory_space<vmem>> -> memref<128xi32, #tpu.memory_space<vmem>>
        %dma_wait3A_317 = arith.constant 0 : i32
        %dma_wait3A_318 = arith.constant 0 : i32
        %dma_wait3A_319 = tpu.memref_slice %arg3[%dma_wait3A_317, %dma_wait3A_318] : memref<100000x16xf32, #tpu.memory_space<hbm>> -> memref<100000x16xf32, #tpu.memory_space<hbm>>
        tpu.wait_indirect_dma semaphore(%arg7 : memref<!tpu.dma_semaphore, #tpu.memory_space<semaphore_mem>>) src(%dma_wait3A_319 : memref<100000x16xf32, #tpu.memory_space<hbm>>) dst(%dma_wait3A_313 : memref<128x16xf32, #tpu.memory_space<vmem>>)
        %mul3A_320 = arith.constant 1920 : i32
        %mul3A_321 = arith.muli %and3A_69, %mul3A_320 : i32
        %add3A_322 = arith.constant 256 : i32
        %add3A_323 = arith.addi %mul3A_321, %add3A_322 : i32
        %dma_wait3A_324 = arith.constant 2 : i32
        %dma_wait3A_325 = arith.constant 0 : i32
        %dma_wait3A_326 = tpu.memref_slice %arg6[%add3A_323, %dma_wait3A_325] : memref<3840x16xf32, #tpu.memory_space<vmem>> -> memref<128x16xf32, #tpu.memory_space<vmem>>
        %dma_wait3A_327 = arith.constant 0 : i32
        %dma_wait3A_328 = tpu.memref_slice %arg5[%dma_wait3A_324, %dma_wait3A_327] : memref<15x128xi32, #tpu.memory_space<vmem>> -> memref<1x128xi32, #tpu.memory_space<vmem>>
        %dma_wait3A_329 = tpu.memref_squeeze %dma_wait3A_328 : memref<1x128xi32, #tpu.memory_space<vmem>> -> memref<128xi32, #tpu.memory_space<vmem>>
        %dma_wait3A_330 = arith.constant 0 : i32
        %dma_wait3A_331 = arith.constant 0 : i32
        %dma_wait3A_332 = tpu.memref_slice %arg3[%dma_wait3A_330, %dma_wait3A_331] : memref<100000x16xf32, #tpu.memory_space<hbm>> -> memref<100000x16xf32, #tpu.memory_space<hbm>>
        tpu.wait_indirect_dma semaphore(%arg7 : memref<!tpu.dma_semaphore, #tpu.memory_space<semaphore_mem>>) src(%dma_wait3A_332 : memref<100000x16xf32, #tpu.memory_space<hbm>>) dst(%dma_wait3A_326 : memref<128x16xf32, #tpu.memory_space<vmem>>)
        %mul3A_333 = arith.constant 1920 : i32
        %mul3A_334 = arith.muli %and3A_69, %mul3A_333 : i32
        %add3A_335 = arith.constant 384 : i32
        %add3A_336 = arith.addi %mul3A_334, %add3A_335 : i32
        %dma_wait3A_337 = arith.constant 3 : i32
        %dma_wait3A_338 = arith.constant 0 : i32
        %dma_wait3A_339 = tpu.memref_slice %arg6[%add3A_336, %dma_wait3A_338] : memref<3840x16xf32, #tpu.memory_space<vmem>> -> memref<128x16xf32, #tpu.memory_space<vmem>>
        %dma_wait3A_340 = arith.constant 0 : i32
        %dma_wait3A_341 = tpu.memref_slice %arg5[%dma_wait3A_337, %dma_wait3A_340] : memref<15x128xi32, #tpu.memory_space<vmem>> -> memref<1x128xi32, #tpu.memory_space<vmem>>
        %dma_wait3A_342 = tpu.memref_squeeze %dma_wait3A_341 : memref<1x128xi32, #tpu.memory_space<vmem>> -> memref<128xi32, #tpu.memory_space<vmem>>
        %dma_wait3A_343 = arith.constant 0 : i32
        %dma_wait3A_344 = arith.constant 0 : i32
        %dma_wait3A_345 = tpu.memref_slice %arg3[%dma_wait3A_343, %dma_wait3A_344] : memref<100000x16xf32, #tpu.memory_space<hbm>> -> memref<100000x16xf32, #tpu.memory_space<hbm>>
        tpu.wait_indirect_dma semaphore(%arg7 : memref<!tpu.dma_semaphore, #tpu.memory_space<semaphore_mem>>) src(%dma_wait3A_345 : memref<100000x16xf32, #tpu.memory_space<hbm>>) dst(%dma_wait3A_339 : memref<128x16xf32, #tpu.memory_space<vmem>>)
        %mul3A_346 = arith.constant 1920 : i32
        %mul3A_347 = arith.muli %and3A_69, %mul3A_346 : i32
        %add3A_348 = arith.constant 512 : i32
        %add3A_349 = arith.addi %mul3A_347, %add3A_348 : i32
        %dma_wait3A_350 = arith.constant 4 : i32
        %dma_wait3A_351 = arith.constant 0 : i32
        %dma_wait3A_352 = tpu.memref_slice %arg6[%add3A_349, %dma_wait3A_351] : memref<3840x16xf32, #tpu.memory_space<vmem>> -> memref<128x16xf32, #tpu.memory_space<vmem>>
        %dma_wait3A_353 = arith.constant 0 : i32
        %dma_wait3A_354 = tpu.memref_slice %arg5[%dma_wait3A_350, %dma_wait3A_353] : memref<15x128xi32, #tpu.memory_space<vmem>> -> memref<1x128xi32, #tpu.memory_space<vmem>>
        %dma_wait3A_355 = tpu.memref_squeeze %dma_wait3A_354 : memref<1x128xi32, #tpu.memory_space<vmem>> -> memref<128xi32, #tpu.memory_space<vmem>>
        %dma_wait3A_356 = arith.constant 0 : i32
        %dma_wait3A_357 = arith.constant 0 : i32
        %dma_wait3A_358 = tpu.memref_slice %arg3[%dma_wait3A_356, %dma_wait3A_357] : memref<100000x16xf32, #tpu.memory_space<hbm>> -> memref<100000x16xf32, #tpu.memory_space<hbm>>
        tpu.wait_indirect_dma semaphore(%arg7 : memref<!tpu.dma_semaphore, #tpu.memory_space<semaphore_mem>>) src(%dma_wait3A_358 : memref<100000x16xf32, #tpu.memory_space<hbm>>) dst(%dma_wait3A_352 : memref<128x16xf32, #tpu.memory_space<vmem>>)
        %mul3A_359 = arith.constant 1920 : i32
        %mul3A_360 = arith.muli %and3A_69, %mul3A_359 : i32
        %add3A_361 = arith.constant 640 : i32
        %add3A_362 = arith.addi %mul3A_360, %add3A_361 : i32
        %dma_wait3A_363 = arith.constant 5 : i32
        %dma_wait3A_364 = arith.constant 0 : i32
        %dma_wait3A_365 = tpu.memref_slice %arg6[%add3A_362, %dma_wait3A_364] : memref<3840x16xf32, #tpu.memory_space<vmem>> -> memref<128x16xf32, #tpu.memory_space<vmem>>
        %dma_wait3A_366 = arith.constant 0 : i32
        %dma_wait3A_367 = tpu.memref_slice %arg5[%dma_wait3A_363, %dma_wait3A_366] : memref<15x128xi32, #tpu.memory_space<vmem>> -> memref<1x128xi32, #tpu.memory_space<vmem>>
        %dma_wait3A_368 = tpu.memref_squeeze %dma_wait3A_367 : memref<1x128xi32, #tpu.memory_space<vmem>> -> memref<128xi32, #tpu.memory_space<vmem>>
        %dma_wait3A_369 = arith.constant 0 : i32
        %dma_wait3A_370 = arith.constant 0 : i32
        %dma_wait3A_371 = tpu.memref_slice %arg3[%dma_wait3A_369, %dma_wait3A_370] : memref<100000x16xf32, #tpu.memory_space<hbm>> -> memref<100000x16xf32, #tpu.memory_space<hbm>>
        tpu.wait_indirect_dma semaphore(%arg7 : memref<!tpu.dma_semaphore, #tpu.memory_space<semaphore_mem>>) src(%dma_wait3A_371 : memref<100000x16xf32, #tpu.memory_space<hbm>>) dst(%dma_wait3A_365 : memref<128x16xf32, #tpu.memory_space<vmem>>)
        %mul3A_372 = arith.constant 1920 : i32
        %mul3A_373 = arith.muli %and3A_69, %mul3A_372 : i32
        %add3A_374 = arith.constant 768 : i32
        %add3A_375 = arith.addi %mul3A_373, %add3A_374 : i32
        %dma_wait3A_376 = arith.constant 6 : i32
        %dma_wait3A_377 = arith.constant 0 : i32
        %dma_wait3A_378 = tpu.memref_slice %arg6[%add3A_375, %dma_wait3A_377] : memref<3840x16xf32, #tpu.memory_space<vmem>> -> memref<128x16xf32, #tpu.memory_space<vmem>>
        %dma_wait3A_379 = arith.constant 0 : i32
        %dma_wait3A_380 = tpu.memref_slice %arg5[%dma_wait3A_376, %dma_wait3A_379] : memref<15x128xi32, #tpu.memory_space<vmem>> -> memref<1x128xi32, #tpu.memory_space<vmem>>
        %dma_wait3A_381 = tpu.memref_squeeze %dma_wait3A_380 : memref<1x128xi32, #tpu.memory_space<vmem>> -> memref<128xi32, #tpu.memory_space<vmem>>
        %dma_wait3A_382 = arith.constant 0 : i32
        %dma_wait3A_383 = arith.constant 0 : i32
        %dma_wait3A_384 = tpu.memref_slice %arg3[%dma_wait3A_382, %dma_wait3A_383] : memref<100000x16xf32, #tpu.memory_space<hbm>> -> memref<100000x16xf32, #tpu.memory_space<hbm>>
        tpu.wait_indirect_dma semaphore(%arg7 : memref<!tpu.dma_semaphore, #tpu.memory_space<semaphore_mem>>) src(%dma_wait3A_384 : memref<100000x16xf32, #tpu.memory_space<hbm>>) dst(%dma_wait3A_378 : memref<128x16xf32, #tpu.memory_space<vmem>>)
        %mul3A_385 = arith.constant 1920 : i32
        %mul3A_386 = arith.muli %and3A_69, %mul3A_385 : i32
        %add3A_387 = arith.constant 896 : i32
        %add3A_388 = arith.addi %mul3A_386, %add3A_387 : i32
        %dma_wait3A_389 = arith.constant 7 : i32
        %dma_wait3A_390 = arith.constant 0 : i32
        %dma_wait3A_391 = tpu.memref_slice %arg6[%add3A_388, %dma_wait3A_390] : memref<3840x16xf32, #tpu.memory_space<vmem>> -> memref<128x16xf32, #tpu.memory_space<vmem>>
        %dma_wait3A_392 = arith.constant 0 : i32
        %dma_wait3A_393 = tpu.memref_slice %arg5[%dma_wait3A_389, %dma_wait3A_392] : memref<15x128xi32, #tpu.memory_space<vmem>> -> memref<1x128xi32, #tpu.memory_space<vmem>>
        %dma_wait3A_394 = tpu.memref_squeeze %dma_wait3A_393 : memref<1x128xi32, #tpu.memory_space<vmem>> -> memref<128xi32, #tpu.memory_space<vmem>>
        %dma_wait3A_395 = arith.constant 0 : i32
        %dma_wait3A_396 = arith.constant 0 : i32
        %dma_wait3A_397 = tpu.memref_slice %arg3[%dma_wait3A_395, %dma_wait3A_396] : memref<100000x16xf32, #tpu.memory_space<hbm>> -> memref<100000x16xf32, #tpu.memory_space<hbm>>
        tpu.wait_indirect_dma semaphore(%arg7 : memref<!tpu.dma_semaphore, #tpu.memory_space<semaphore_mem>>) src(%dma_wait3A_397 : memref<100000x16xf32, #tpu.memory_space<hbm>>) dst(%dma_wait3A_391 : memref<128x16xf32, #tpu.memory_space<vmem>>)
        %mul3A_398 = arith.constant 1920 : i32
        %mul3A_399 = arith.muli %and3A_69, %mul3A_398 : i32
        %add3A_400 = arith.constant 1024 : i32
        %add3A_401 = arith.addi %mul3A_399, %add3A_400 : i32
        %dma_wait3A_402 = arith.constant 8 : i32
        %dma_wait3A_403 = arith.constant 0 : i32
        %dma_wait3A_404 = tpu.memref_slice %arg6[%add3A_401, %dma_wait3A_403] : memref<3840x16xf32, #tpu.memory_space<vmem>> -> memref<128x16xf32, #tpu.memory_space<vmem>>
        %dma_wait3A_405 = arith.constant 0 : i32
        %dma_wait3A_406 = tpu.memref_slice %arg5[%dma_wait3A_402, %dma_wait3A_405] : memref<15x128xi32, #tpu.memory_space<vmem>> -> memref<1x128xi32, #tpu.memory_space<vmem>>
        %dma_wait3A_407 = tpu.memref_squeeze %dma_wait3A_406 : memref<1x128xi32, #tpu.memory_space<vmem>> -> memref<128xi32, #tpu.memory_space<vmem>>
        %dma_wait3A_408 = arith.constant 0 : i32
        %dma_wait3A_409 = arith.constant 0 : i32
        %dma_wait3A_410 = tpu.memref_slice %arg3[%dma_wait3A_408, %dma_wait3A_409] : memref<100000x16xf32, #tpu.memory_space<hbm>> -> memref<100000x16xf32, #tpu.memory_space<hbm>>
        tpu.wait_indirect_dma semaphore(%arg7 : memref<!tpu.dma_semaphore, #tpu.memory_space<semaphore_mem>>) src(%dma_wait3A_410 : memref<100000x16xf32, #tpu.memory_space<hbm>>) dst(%dma_wait3A_404 : memref<128x16xf32, #tpu.memory_space<vmem>>)
        %mul3A_411 = arith.constant 1920 : i32
        %mul3A_412 = arith.muli %and3A_69, %mul3A_411 : i32
        %add3A_413 = arith.constant 1152 : i32
        %add3A_414 = arith.addi %mul3A_412, %add3A_413 : i32
        %dma_wait3A_415 = arith.constant 9 : i32
        %dma_wait3A_416 = arith.constant 0 : i32
        %dma_wait3A_417 = tpu.memref_slice %arg6[%add3A_414, %dma_wait3A_416] : memref<3840x16xf32, #tpu.memory_space<vmem>> -> memref<128x16xf32, #tpu.memory_space<vmem>>
        %dma_wait3A_418 = arith.constant 0 : i32
        %dma_wait3A_419 = tpu.memref_slice %arg5[%dma_wait3A_415, %dma_wait3A_418] : memref<15x128xi32, #tpu.memory_space<vmem>> -> memref<1x128xi32, #tpu.memory_space<vmem>>
        %dma_wait3A_420 = tpu.memref_squeeze %dma_wait3A_419 : memref<1x128xi32, #tpu.memory_space<vmem>> -> memref<128xi32, #tpu.memory_space<vmem>>
        %dma_wait3A_421 = arith.constant 0 : i32
        %dma_wait3A_422 = arith.constant 0 : i32
        %dma_wait3A_423 = tpu.memref_slice %arg3[%dma_wait3A_421, %dma_wait3A_422] : memref<100000x16xf32, #tpu.memory_space<hbm>> -> memref<100000x16xf32, #tpu.memory_space<hbm>>
        tpu.wait_indirect_dma semaphore(%arg7 : memref<!tpu.dma_semaphore, #tpu.memory_space<semaphore_mem>>) src(%dma_wait3A_423 : memref<100000x16xf32, #tpu.memory_space<hbm>>) dst(%dma_wait3A_417 : memref<128x16xf32, #tpu.memory_space<vmem>>)
        %mul3A_424 = arith.constant 1920 : i32
        %mul3A_425 = arith.muli %and3A_69, %mul3A_424 : i32
        %add3A_426 = arith.constant 1280 : i32
        %add3A_427 = arith.addi %mul3A_425, %add3A_426 : i32
        %dma_wait3A_428 = arith.constant 10 : i32
        %dma_wait3A_429 = arith.constant 0 : i32
        %dma_wait3A_430 = tpu.memref_slice %arg6[%add3A_427, %dma_wait3A_429] : memref<3840x16xf32, #tpu.memory_space<vmem>> -> memref<128x16xf32, #tpu.memory_space<vmem>>
        %dma_wait3A_431 = arith.constant 0 : i32
        %dma_wait3A_432 = tpu.memref_slice %arg5[%dma_wait3A_428, %dma_wait3A_431] : memref<15x128xi32, #tpu.memory_space<vmem>> -> memref<1x128xi32, #tpu.memory_space<vmem>>
        %dma_wait3A_433 = tpu.memref_squeeze %dma_wait3A_432 : memref<1x128xi32, #tpu.memory_space<vmem>> -> memref<128xi32, #tpu.memory_space<vmem>>
        %dma_wait3A_434 = arith.constant 0 : i32
        %dma_wait3A_435 = arith.constant 0 : i32
        %dma_wait3A_436 = tpu.memref_slice %arg3[%dma_wait3A_434, %dma_wait3A_435] : memref<100000x16xf32, #tpu.memory_space<hbm>> -> memref<100000x16xf32, #tpu.memory_space<hbm>>
        tpu.wait_indirect_dma semaphore(%arg7 : memref<!tpu.dma_semaphore, #tpu.memory_space<semaphore_mem>>) src(%dma_wait3A_436 : memref<100000x16xf32, #tpu.memory_space<hbm>>) dst(%dma_wait3A_430 : memref<128x16xf32, #tpu.memory_space<vmem>>)
        %mul3A_437 = arith.constant 1920 : i32
        %mul3A_438 = arith.muli %and3A_69, %mul3A_437 : i32
        %add3A_439 = arith.constant 1408 : i32
        %add3A_440 = arith.addi %mul3A_438, %add3A_439 : i32
        %dma_wait3A_441 = arith.constant 11 : i32
        %dma_wait3A_442 = arith.constant 0 : i32
        %dma_wait3A_443 = tpu.memref_slice %arg6[%add3A_440, %dma_wait3A_442] : memref<3840x16xf32, #tpu.memory_space<vmem>> -> memref<128x16xf32, #tpu.memory_space<vmem>>
        %dma_wait3A_444 = arith.constant 0 : i32
        %dma_wait3A_445 = tpu.memref_slice %arg5[%dma_wait3A_441, %dma_wait3A_444] : memref<15x128xi32, #tpu.memory_space<vmem>> -> memref<1x128xi32, #tpu.memory_space<vmem>>
        %dma_wait3A_446 = tpu.memref_squeeze %dma_wait3A_445 : memref<1x128xi32, #tpu.memory_space<vmem>> -> memref<128xi32, #tpu.memory_space<vmem>>
        %dma_wait3A_447 = arith.constant 0 : i32
        %dma_wait3A_448 = arith.constant 0 : i32
        %dma_wait3A_449 = tpu.memref_slice %arg3[%dma_wait3A_447, %dma_wait3A_448] : memref<100000x16xf32, #tpu.memory_space<hbm>> -> memref<100000x16xf32, #tpu.memory_space<hbm>>
        tpu.wait_indirect_dma semaphore(%arg7 : memref<!tpu.dma_semaphore, #tpu.memory_space<semaphore_mem>>) src(%dma_wait3A_449 : memref<100000x16xf32, #tpu.memory_space<hbm>>) dst(%dma_wait3A_443 : memref<128x16xf32, #tpu.memory_space<vmem>>)
        %mul3A_450 = arith.constant 1920 : i32
        %mul3A_451 = arith.muli %and3A_69, %mul3A_450 : i32
        %add3A_452 = arith.constant 1536 : i32
        %add3A_453 = arith.addi %mul3A_451, %add3A_452 : i32
        %dma_wait3A_454 = arith.constant 12 : i32
        %dma_wait3A_455 = arith.constant 0 : i32
        %dma_wait3A_456 = tpu.memref_slice %arg6[%add3A_453, %dma_wait3A_455] : memref<3840x16xf32, #tpu.memory_space<vmem>> -> memref<128x16xf32, #tpu.memory_space<vmem>>
        %dma_wait3A_457 = arith.constant 0 : i32
        %dma_wait3A_458 = tpu.memref_slice %arg5[%dma_wait3A_454, %dma_wait3A_457] : memref<15x128xi32, #tpu.memory_space<vmem>> -> memref<1x128xi32, #tpu.memory_space<vmem>>
        %dma_wait3A_459 = tpu.memref_squeeze %dma_wait3A_458 : memref<1x128xi32, #tpu.memory_space<vmem>> -> memref<128xi32, #tpu.memory_space<vmem>>
        %dma_wait3A_460 = arith.constant 0 : i32
        %dma_wait3A_461 = arith.constant 0 : i32
        %dma_wait3A_462 = tpu.memref_slice %arg3[%dma_wait3A_460, %dma_wait3A_461] : memref<100000x16xf32, #tpu.memory_space<hbm>> -> memref<100000x16xf32, #tpu.memory_space<hbm>>
        tpu.wait_indirect_dma semaphore(%arg7 : memref<!tpu.dma_semaphore, #tpu.memory_space<semaphore_mem>>) src(%dma_wait3A_462 : memref<100000x16xf32, #tpu.memory_space<hbm>>) dst(%dma_wait3A_456 : memref<128x16xf32, #tpu.memory_space<vmem>>)
        %mul3A_463 = arith.constant 1920 : i32
        %mul3A_464 = arith.muli %and3A_69, %mul3A_463 : i32
        %add3A_465 = arith.constant 1664 : i32
        %add3A_466 = arith.addi %mul3A_464, %add3A_465 : i32
        %dma_wait3A_467 = arith.constant 13 : i32
        %dma_wait3A_468 = arith.constant 0 : i32
        %dma_wait3A_469 = tpu.memref_slice %arg6[%add3A_466, %dma_wait3A_468] : memref<3840x16xf32, #tpu.memory_space<vmem>> -> memref<128x16xf32, #tpu.memory_space<vmem>>
        %dma_wait3A_470 = arith.constant 0 : i32
        %dma_wait3A_471 = tpu.memref_slice %arg5[%dma_wait3A_467, %dma_wait3A_470] : memref<15x128xi32, #tpu.memory_space<vmem>> -> memref<1x128xi32, #tpu.memory_space<vmem>>
        %dma_wait3A_472 = tpu.memref_squeeze %dma_wait3A_471 : memref<1x128xi32, #tpu.memory_space<vmem>> -> memref<128xi32, #tpu.memory_space<vmem>>
        %dma_wait3A_473 = arith.constant 0 : i32
        %dma_wait3A_474 = arith.constant 0 : i32
        %dma_wait3A_475 = tpu.memref_slice %arg3[%dma_wait3A_473, %dma_wait3A_474] : memref<100000x16xf32, #tpu.memory_space<hbm>> -> memref<100000x16xf32, #tpu.memory_space<hbm>>
        tpu.wait_indirect_dma semaphore(%arg7 : memref<!tpu.dma_semaphore, #tpu.memory_space<semaphore_mem>>) src(%dma_wait3A_475 : memref<100000x16xf32, #tpu.memory_space<hbm>>) dst(%dma_wait3A_469 : memref<128x16xf32, #tpu.memory_space<vmem>>)
        %mul3A_476 = arith.constant 1920 : i32
        %mul3A_477 = arith.muli %and3A_69, %mul3A_476 : i32
        %add3A_478 = arith.constant 1792 : i32
        %add3A_479 = arith.addi %mul3A_477, %add3A_478 : i32
        %dma_wait3A_480 = arith.constant 14 : i32
        %dma_wait3A_481 = arith.constant 0 : i32
        %dma_wait3A_482 = tpu.memref_slice %arg6[%add3A_479, %dma_wait3A_481] : memref<3840x16xf32, #tpu.memory_space<vmem>> -> memref<128x16xf32, #tpu.memory_space<vmem>>
        %dma_wait3A_483 = arith.constant 0 : i32
        %dma_wait3A_484 = tpu.memref_slice %arg5[%dma_wait3A_480, %dma_wait3A_483] : memref<15x128xi32, #tpu.memory_space<vmem>> -> memref<1x128xi32, #tpu.memory_space<vmem>>
        %dma_wait3A_485 = tpu.memref_squeeze %dma_wait3A_484 : memref<1x128xi32, #tpu.memory_space<vmem>> -> memref<128xi32, #tpu.memory_space<vmem>>
        %dma_wait3A_486 = arith.constant 0 : i32
        %dma_wait3A_487 = arith.constant 0 : i32
        %dma_wait3A_488 = tpu.memref_slice %arg3[%dma_wait3A_486, %dma_wait3A_487] : memref<100000x16xf32, #tpu.memory_space<hbm>> -> memref<100000x16xf32, #tpu.memory_space<hbm>>
        tpu.wait_indirect_dma semaphore(%arg7 : memref<!tpu.dma_semaphore, #tpu.memory_space<semaphore_mem>>) src(%dma_wait3A_488 : memref<100000x16xf32, #tpu.memory_space<hbm>>) dst(%dma_wait3A_482 : memref<128x16xf32, #tpu.memory_space<vmem>>)
        %mul3A_489 = arith.constant 1 : i32
        %mul3A_490 = arith.muli %while3A_51, %mul3A_489 : i32
        %add3A_491 = arith.constant 0 : i32
        %add3A_492 = arith.addi %mul3A_490, %add3A_491 : i32
        %ge3A = arith.constant 1 : i32
        %ge3A_493 = arith.cmpi sge, %add3A_492, %ge3A : i32
        %convert_element_type3A_494 = arith.extui %ge3A_493 : i1 to i32
        %cond3A_495 = arith.constant 0 : i32
        %cond3A_496 = arith.cmpi ne, %convert_element_type3A_494, %cond3A_495 : i32
        scf.if %cond3A_496 {
          %sub3A_509 = arith.constant 1 : i32
          %sub3A_510 = arith.subi %sub3A_509, %and3A_69 : i32
          %mul3A_511 = arith.constant 1920 : i32
          %mul3A_512 = arith.muli %sub3A_510, %mul3A_511 : i32
          %dma_wait3A_513 = arith.constant 0 : i32
          %dma_wait3A_514 = tpu.memref_slice %arg6[%mul3A_512, %dma_wait3A_513] : memref<3840x16xf32, #tpu.memory_space<vmem>> -> memref<1920x16xf32, #tpu.memory_space<vmem>>
          %dma_wait3A_515 = arith.constant 0 : i32
          %dma_wait3A_516 = arith.constant 0 : i32
          %dma_wait3A_517 = tpu.memref_slice %arg4[%dma_wait3A_515, %dma_wait3A_516] : memref<1499520x16xf32, #tpu.memory_space<hbm>> -> memref<1920x16xf32, #tpu.memory_space<hbm>>
          %dma_wait3A_518 = arith.constant 0 : i32
          %dma_wait3A_519 = arith.constant 0 : i32
          %dma_wait3A_520 = tpu.memref_slice %arg4[%dma_wait3A_518, %dma_wait3A_519] : memref<1499520x16xf32, #tpu.memory_space<hbm>> -> memref<1920x16xf32, #tpu.memory_space<hbm>>
          %dma_wait3A_521 = arith.constant 0 : i32
          %dma_wait3A_522 = tpu.memref_slice %arg6[%mul3A_512, %dma_wait3A_521] : memref<3840x16xf32, #tpu.memory_space<vmem>> -> memref<1920x16xf32, #tpu.memory_space<vmem>>
          tpu.wait_dma2 semaphore(%arg8 : memref<!tpu.dma_semaphore, #tpu.memory_space<semaphore_mem>>) src(%dma_wait3A_522 : memref<1920x16xf32, #tpu.memory_space<vmem>>) dst(%dma_wait3A_520 : memref<1920x16xf32, #tpu.memory_space<hbm>>)
        } else {
        }
        %mul3A_497 = arith.constant 1920 : i32
        %mul3A_498 = arith.muli %and3A_69, %mul3A_497 : i32
        %mul3A_499 = arith.constant 1920 : i32
        %mul3A_500 = arith.muli %add3A_60, %mul3A_499 : i32
        %dma_start3A_501 = arith.constant 0 : i32
        %dma_start3A_502 = tpu.memref_slice %arg6[%mul3A_498, %dma_start3A_501] : memref<3840x16xf32, #tpu.memory_space<vmem>> -> memref<1920x16xf32, #tpu.memory_space<vmem>>
        %dma_start3A_503 = arith.constant 0 : i32
        %dma_start3A_504 = tpu.memref_slice %arg4[%mul3A_500, %dma_start3A_503] : memref<1499520x16xf32, #tpu.memory_space<hbm>> -> memref<1920x16xf32, #tpu.memory_space<hbm>>
        %dma_start3A_505 = arith.constant 0 : i32
        %dma_start3A_506 = tpu.memref_slice %arg4[%mul3A_500, %dma_start3A_505] : memref<1499520x16xf32, #tpu.memory_space<hbm>> -> memref<1920x16xf32, #tpu.memory_space<hbm>>
        %dma_start3A_507 = arith.constant 0 : i32
        %dma_start3A_508 = tpu.memref_slice %arg6[%mul3A_498, %dma_start3A_507] : memref<3840x16xf32, #tpu.memory_space<vmem>> -> memref<1920x16xf32, #tpu.memory_space<vmem>>
        tpu.enqueue_dma source(%dma_start3A_508 : memref<1920x16xf32, #tpu.memory_space<vmem>>) target(%dma_start3A_506 : memref<1920x16xf32, #tpu.memory_space<hbm>>) target_semaphore(%arg8 : memref<!tpu.dma_semaphore, #tpu.memory_space<semaphore_mem>>)
      } else {
      }
    }
    %dma_wait3A = arith.constant 0 : i32
    %dma_wait3A_40 = arith.constant 0 : i32
    %dma_wait3A_41 = tpu.memref_slice %arg6[%dma_wait3A, %dma_wait3A_40] : memref<3840x16xf32, #tpu.memory_space<vmem>> -> memref<1920x16xf32, #tpu.memory_space<vmem>>
    %dma_wait3A_42 = arith.constant 0 : i32
    %dma_wait3A_43 = arith.constant 0 : i32
    %dma_wait3A_44 = tpu.memref_slice %arg4[%dma_wait3A_42, %dma_wait3A_43] : memref<1499520x16xf32, #tpu.memory_space<hbm>> -> memref<1920x16xf32, #tpu.memory_space<hbm>>
    %dma_wait3A_45 = arith.constant 0 : i32
    %dma_wait3A_46 = arith.constant 0 : i32
    %dma_wait3A_47 = tpu.memref_slice %arg4[%dma_wait3A_45, %dma_wait3A_46] : memref<1499520x16xf32, #tpu.memory_space<hbm>> -> memref<1920x16xf32, #tpu.memory_space<hbm>>
    %dma_wait3A_48 = arith.constant 0 : i32
    %dma_wait3A_49 = arith.constant 0 : i32
    %dma_wait3A_50 = tpu.memref_slice %arg6[%dma_wait3A_48, %dma_wait3A_49] : memref<3840x16xf32, #tpu.memory_space<vmem>> -> memref<1920x16xf32, #tpu.memory_space<vmem>>
    tpu.wait_dma2 semaphore(%arg8 : memref<!tpu.dma_semaphore, #tpu.memory_space<semaphore_mem>>) src(%dma_wait3A_50 : memref<1920x16xf32, #tpu.memory_space<vmem>>) dst(%dma_wait3A_47 : memref<1920x16xf32, #tpu.memory_space<hbm>>)
    return
  }
}

#map = affine_map<(d0, d1) -> (0, 0)>
module attributes {stable_mosaic.version = 14 : i64} {
  func.func @_addpos_kernel(%arg0: i32, %arg1: i32, %arg2: memref<187440x128xf32, #tpu.memory_space<hbm>>, %arg3: memref<2x128xf32, #tpu.memory_space<hbm>>, %arg4: memref<240x99985xf32, #tpu.memory_space<hbm>>, %arg5: memref<480x128xf32, #tpu.memory_space<vmem>>, %arg6: memref<480x128xf32, #tpu.memory_space<vmem>>, %arg7: memref<2x128xf32, #tpu.memory_space<vmem>>, %arg8: memref<!tpu.dma_semaphore, #tpu.memory_space<semaphore_mem>>, %arg9: memref<!tpu.dma_semaphore, #tpu.memory_space<semaphore_mem>>) attributes {dimension_semantics = [#tpu.dimension_semantics<core_parallel>, #tpu.dimension_semantics<subcore_parallel>], iteration_bounds = array<i64: 2, 16>, scalar_prefetch = 0 : i64, scratch_operands = 5 : i64, tpu.core_type = #tpu.core_type<sc_vector_subcore>, window_params = [{transform_indices = #map}, {transform_indices = #map}, {transform_indices = #map}]} {
    %mul3A = arith.constant 2 : i32
    %mul3A_0 = arith.muli %arg1, %mul3A : i32
    %add3A = arith.addi %mul3A_0, %arg0 : i32
    %iota3A = tpu.iota {dimensions = array<i32: 0>} : vector<16xi32>
    %shift_right_logical3A = arith.constant 3 : i32
    %shift_right_logical3A_1 = vector.broadcast %shift_right_logical3A : i32 to vector<16xi32>
    %shift_right_logical3A_2 = arith.shrui %iota3A, %shift_right_logical3A_1 : vector<16xi32>
    %add3A_3 = arith.constant 0 : i32
    %add3A_4 = vector.broadcast %add3A_3 : i32 to vector<16xi32>
    %add3A_5 = arith.addi %iota3A, %add3A_4 : vector<16xi32>
    %and3A = arith.constant 15 : i32
    %and3A_6 = vector.broadcast %and3A : i32 to vector<16xi32>
    %and3A_7 = arith.andi %add3A_5, %and3A_6 : vector<16xi32>
    %add3A_8 = arith.constant 1 : i32
    %add3A_9 = vector.broadcast %add3A_8 : i32 to vector<16xi32>
    %add3A_10 = arith.addi %iota3A, %add3A_9 : vector<16xi32>
    %and3A_11 = arith.constant 15 : i32
    %and3A_12 = vector.broadcast %and3A_11 : i32 to vector<16xi32>
    %and3A_13 = arith.andi %add3A_10, %and3A_12 : vector<16xi32>
    %add3A_14 = arith.constant 2 : i32
    %add3A_15 = vector.broadcast %add3A_14 : i32 to vector<16xi32>
    %add3A_16 = arith.addi %iota3A, %add3A_15 : vector<16xi32>
    %and3A_17 = arith.constant 15 : i32
    %and3A_18 = vector.broadcast %and3A_17 : i32 to vector<16xi32>
    %and3A_19 = arith.andi %add3A_16, %and3A_18 : vector<16xi32>
    %add3A_20 = arith.constant 3 : i32
    %add3A_21 = vector.broadcast %add3A_20 : i32 to vector<16xi32>
    %add3A_22 = arith.addi %iota3A, %add3A_21 : vector<16xi32>
    %and3A_23 = arith.constant 15 : i32
    %and3A_24 = vector.broadcast %and3A_23 : i32 to vector<16xi32>
    %and3A_25 = arith.andi %add3A_22, %and3A_24 : vector<16xi32>
    %add3A_26 = arith.constant 4 : i32
    %add3A_27 = vector.broadcast %add3A_26 : i32 to vector<16xi32>
    %add3A_28 = arith.addi %iota3A, %add3A_27 : vector<16xi32>
    %and3A_29 = arith.constant 15 : i32
    %and3A_30 = vector.broadcast %and3A_29 : i32 to vector<16xi32>
    %and3A_31 = arith.andi %add3A_28, %and3A_30 : vector<16xi32>
    %add3A_32 = arith.constant 5 : i32
    %add3A_33 = vector.broadcast %add3A_32 : i32 to vector<16xi32>
    %add3A_34 = arith.addi %iota3A, %add3A_33 : vector<16xi32>
    %and3A_35 = arith.constant 15 : i32
    %and3A_36 = vector.broadcast %and3A_35 : i32 to vector<16xi32>
    %and3A_37 = arith.andi %add3A_34, %and3A_36 : vector<16xi32>
    %add3A_38 = arith.constant 6 : i32
    %add3A_39 = vector.broadcast %add3A_38 : i32 to vector<16xi32>
    %add3A_40 = arith.addi %iota3A, %add3A_39 : vector<16xi32>
    %and3A_41 = arith.constant 15 : i32
    %and3A_42 = vector.broadcast %and3A_41 : i32 to vector<16xi32>
    %and3A_43 = arith.andi %add3A_40, %and3A_42 : vector<16xi32>
    %add3A_44 = arith.constant 7 : i32
    %add3A_45 = vector.broadcast %add3A_44 : i32 to vector<16xi32>
    %add3A_46 = arith.addi %iota3A, %add3A_45 : vector<16xi32>
    %and3A_47 = arith.constant 15 : i32
    %and3A_48 = vector.broadcast %and3A_47 : i32 to vector<16xi32>
    %and3A_49 = arith.andi %add3A_46, %and3A_48 : vector<16xi32>
    %add3A_50 = arith.constant 8 : i32
    %add3A_51 = vector.broadcast %add3A_50 : i32 to vector<16xi32>
    %add3A_52 = arith.addi %iota3A, %add3A_51 : vector<16xi32>
    %and3A_53 = arith.constant 15 : i32
    %and3A_54 = vector.broadcast %and3A_53 : i32 to vector<16xi32>
    %and3A_55 = arith.andi %add3A_52, %and3A_54 : vector<16xi32>
    %add3A_56 = arith.constant 9 : i32
    %add3A_57 = vector.broadcast %add3A_56 : i32 to vector<16xi32>
    %add3A_58 = arith.addi %iota3A, %add3A_57 : vector<16xi32>
    %and3A_59 = arith.constant 15 : i32
    %and3A_60 = vector.broadcast %and3A_59 : i32 to vector<16xi32>
    %and3A_61 = arith.andi %add3A_58, %and3A_60 : vector<16xi32>
    %add3A_62 = arith.constant 10 : i32
    %add3A_63 = vector.broadcast %add3A_62 : i32 to vector<16xi32>
    %add3A_64 = arith.addi %iota3A, %add3A_63 : vector<16xi32>
    %and3A_65 = arith.constant 15 : i32
    %and3A_66 = vector.broadcast %and3A_65 : i32 to vector<16xi32>
    %and3A_67 = arith.andi %add3A_64, %and3A_66 : vector<16xi32>
    %add3A_68 = arith.constant 11 : i32
    %add3A_69 = vector.broadcast %add3A_68 : i32 to vector<16xi32>
    %add3A_70 = arith.addi %iota3A, %add3A_69 : vector<16xi32>
    %and3A_71 = arith.constant 15 : i32
    %and3A_72 = vector.broadcast %and3A_71 : i32 to vector<16xi32>
    %and3A_73 = arith.andi %add3A_70, %and3A_72 : vector<16xi32>
    %add3A_74 = arith.constant 12 : i32
    %add3A_75 = vector.broadcast %add3A_74 : i32 to vector<16xi32>
    %add3A_76 = arith.addi %iota3A, %add3A_75 : vector<16xi32>
    %and3A_77 = arith.constant 15 : i32
    %and3A_78 = vector.broadcast %and3A_77 : i32 to vector<16xi32>
    %and3A_79 = arith.andi %add3A_76, %and3A_78 : vector<16xi32>
    %add3A_80 = arith.constant 13 : i32
    %add3A_81 = vector.broadcast %add3A_80 : i32 to vector<16xi32>
    %add3A_82 = arith.addi %iota3A, %add3A_81 : vector<16xi32>
    %and3A_83 = arith.constant 15 : i32
    %and3A_84 = vector.broadcast %and3A_83 : i32 to vector<16xi32>
    %and3A_85 = arith.andi %add3A_82, %and3A_84 : vector<16xi32>
    %add3A_86 = arith.constant 14 : i32
    %add3A_87 = vector.broadcast %add3A_86 : i32 to vector<16xi32>
    %add3A_88 = arith.addi %iota3A, %add3A_87 : vector<16xi32>
    %and3A_89 = arith.constant 15 : i32
    %and3A_90 = vector.broadcast %and3A_89 : i32 to vector<16xi32>
    %and3A_91 = arith.andi %add3A_88, %and3A_90 : vector<16xi32>
    %add3A_92 = arith.constant 15 : i32
    %add3A_93 = vector.broadcast %add3A_92 : i32 to vector<16xi32>
    %add3A_94 = arith.addi %iota3A, %add3A_93 : vector<16xi32>
    %and3A_95 = arith.constant 15 : i32
    %and3A_96 = vector.broadcast %and3A_95 : i32 to vector<16xi32>
    %and3A_97 = arith.andi %add3A_94, %and3A_96 : vector<16xi32>
    %and3A_98 = arith.constant 7 : i32
    %and3A_99 = vector.broadcast %and3A_98 : i32 to vector<16xi32>
    %and3A_100 = arith.andi %iota3A, %and3A_99 : vector<16xi32>
    %mul3A_101 = arith.constant 16 : i32
    %mul3A_102 = vector.broadcast %mul3A_101 : i32 to vector<16xi32>
    %mul3A_103 = arith.muli %and3A_100, %mul3A_102 : vector<16xi32>
    %add3A_104 = arith.addi %mul3A_103, %and3A_7 : vector<16xi32>
    %and3A_105 = arith.constant 7 : i32
    %and3A_106 = vector.broadcast %and3A_105 : i32 to vector<16xi32>
    %and3A_107 = arith.andi %iota3A, %and3A_106 : vector<16xi32>
    %mul3A_108 = arith.constant 16 : i32
    %mul3A_109 = vector.broadcast %mul3A_108 : i32 to vector<16xi32>
    %mul3A_110 = arith.muli %and3A_107, %mul3A_109 : vector<16xi32>
    %add3A_111 = arith.addi %mul3A_110, %and3A_13 : vector<16xi32>
    %and3A_112 = arith.constant 7 : i32
    %and3A_113 = vector.broadcast %and3A_112 : i32 to vector<16xi32>
    %and3A_114 = arith.andi %iota3A, %and3A_113 : vector<16xi32>
    %mul3A_115 = arith.constant 16 : i32
    %mul3A_116 = vector.broadcast %mul3A_115 : i32 to vector<16xi32>
    %mul3A_117 = arith.muli %and3A_114, %mul3A_116 : vector<16xi32>
    %add3A_118 = arith.addi %mul3A_117, %and3A_19 : vector<16xi32>
    %and3A_119 = arith.constant 7 : i32
    %and3A_120 = vector.broadcast %and3A_119 : i32 to vector<16xi32>
    %and3A_121 = arith.andi %iota3A, %and3A_120 : vector<16xi32>
    %mul3A_122 = arith.constant 16 : i32
    %mul3A_123 = vector.broadcast %mul3A_122 : i32 to vector<16xi32>
    %mul3A_124 = arith.muli %and3A_121, %mul3A_123 : vector<16xi32>
    %add3A_125 = arith.addi %mul3A_124, %and3A_25 : vector<16xi32>
    %and3A_126 = arith.constant 7 : i32
    %and3A_127 = vector.broadcast %and3A_126 : i32 to vector<16xi32>
    %and3A_128 = arith.andi %iota3A, %and3A_127 : vector<16xi32>
    %mul3A_129 = arith.constant 16 : i32
    %mul3A_130 = vector.broadcast %mul3A_129 : i32 to vector<16xi32>
    %mul3A_131 = arith.muli %and3A_128, %mul3A_130 : vector<16xi32>
    %add3A_132 = arith.addi %mul3A_131, %and3A_31 : vector<16xi32>
    %and3A_133 = arith.constant 7 : i32
    %and3A_134 = vector.broadcast %and3A_133 : i32 to vector<16xi32>
    %and3A_135 = arith.andi %iota3A, %and3A_134 : vector<16xi32>
    %mul3A_136 = arith.constant 16 : i32
    %mul3A_137 = vector.broadcast %mul3A_136 : i32 to vector<16xi32>
    %mul3A_138 = arith.muli %and3A_135, %mul3A_137 : vector<16xi32>
    %add3A_139 = arith.addi %mul3A_138, %and3A_37 : vector<16xi32>
    %and3A_140 = arith.constant 7 : i32
    %and3A_141 = vector.broadcast %and3A_140 : i32 to vector<16xi32>
    %and3A_142 = arith.andi %iota3A, %and3A_141 : vector<16xi32>
    %mul3A_143 = arith.constant 16 : i32
    %mul3A_144 = vector.broadcast %mul3A_143 : i32 to vector<16xi32>
    %mul3A_145 = arith.muli %and3A_142, %mul3A_144 : vector<16xi32>
    %add3A_146 = arith.addi %mul3A_145, %and3A_43 : vector<16xi32>
    %and3A_147 = arith.constant 7 : i32
    %and3A_148 = vector.broadcast %and3A_147 : i32 to vector<16xi32>
    %and3A_149 = arith.andi %iota3A, %and3A_148 : vector<16xi32>
    %mul3A_150 = arith.constant 16 : i32
    %mul3A_151 = vector.broadcast %mul3A_150 : i32 to vector<16xi32>
    %mul3A_152 = arith.muli %and3A_149, %mul3A_151 : vector<16xi32>
    %add3A_153 = arith.addi %mul3A_152, %and3A_49 : vector<16xi32>
    %and3A_154 = arith.constant 7 : i32
    %and3A_155 = vector.broadcast %and3A_154 : i32 to vector<16xi32>
    %and3A_156 = arith.andi %iota3A, %and3A_155 : vector<16xi32>
    %mul3A_157 = arith.constant 16 : i32
    %mul3A_158 = vector.broadcast %mul3A_157 : i32 to vector<16xi32>
    %mul3A_159 = arith.muli %and3A_156, %mul3A_158 : vector<16xi32>
    %add3A_160 = arith.addi %mul3A_159, %and3A_55 : vector<16xi32>
    %and3A_161 = arith.constant 7 : i32
    %and3A_162 = vector.broadcast %and3A_161 : i32 to vector<16xi32>
    %and3A_163 = arith.andi %iota3A, %and3A_162 : vector<16xi32>
    %mul3A_164 = arith.constant 16 : i32
    %mul3A_165 = vector.broadcast %mul3A_164 : i32 to vector<16xi32>
    %mul3A_166 = arith.muli %and3A_163, %mul3A_165 : vector<16xi32>
    %add3A_167 = arith.addi %mul3A_166, %and3A_61 : vector<16xi32>
    %and3A_168 = arith.constant 7 : i32
    %and3A_169 = vector.broadcast %and3A_168 : i32 to vector<16xi32>
    %and3A_170 = arith.andi %iota3A, %and3A_169 : vector<16xi32>
    %mul3A_171 = arith.constant 16 : i32
    %mul3A_172 = vector.broadcast %mul3A_171 : i32 to vector<16xi32>
    %mul3A_173 = arith.muli %and3A_170, %mul3A_172 : vector<16xi32>
    %add3A_174 = arith.addi %mul3A_173, %and3A_67 : vector<16xi32>
    %and3A_175 = arith.constant 7 : i32
    %and3A_176 = vector.broadcast %and3A_175 : i32 to vector<16xi32>
    %and3A_177 = arith.andi %iota3A, %and3A_176 : vector<16xi32>
    %mul3A_178 = arith.constant 16 : i32
    %mul3A_179 = vector.broadcast %mul3A_178 : i32 to vector<16xi32>
    %mul3A_180 = arith.muli %and3A_177, %mul3A_179 : vector<16xi32>
    %add3A_181 = arith.addi %mul3A_180, %and3A_73 : vector<16xi32>
    %and3A_182 = arith.constant 7 : i32
    %and3A_183 = vector.broadcast %and3A_182 : i32 to vector<16xi32>
    %and3A_184 = arith.andi %iota3A, %and3A_183 : vector<16xi32>
    %mul3A_185 = arith.constant 16 : i32
    %mul3A_186 = vector.broadcast %mul3A_185 : i32 to vector<16xi32>
    %mul3A_187 = arith.muli %and3A_184, %mul3A_186 : vector<16xi32>
    %add3A_188 = arith.addi %mul3A_187, %and3A_79 : vector<16xi32>
    %and3A_189 = arith.constant 7 : i32
    %and3A_190 = vector.broadcast %and3A_189 : i32 to vector<16xi32>
    %and3A_191 = arith.andi %iota3A, %and3A_190 : vector<16xi32>
    %mul3A_192 = arith.constant 16 : i32
    %mul3A_193 = vector.broadcast %mul3A_192 : i32 to vector<16xi32>
    %mul3A_194 = arith.muli %and3A_191, %mul3A_193 : vector<16xi32>
    %add3A_195 = arith.addi %mul3A_194, %and3A_85 : vector<16xi32>
    %and3A_196 = arith.constant 7 : i32
    %and3A_197 = vector.broadcast %and3A_196 : i32 to vector<16xi32>
    %and3A_198 = arith.andi %iota3A, %and3A_197 : vector<16xi32>
    %mul3A_199 = arith.constant 16 : i32
    %mul3A_200 = vector.broadcast %mul3A_199 : i32 to vector<16xi32>
    %mul3A_201 = arith.muli %and3A_198, %mul3A_200 : vector<16xi32>
    %add3A_202 = arith.addi %mul3A_201, %and3A_91 : vector<16xi32>
    %and3A_203 = arith.constant 7 : i32
    %and3A_204 = vector.broadcast %and3A_203 : i32 to vector<16xi32>
    %and3A_205 = arith.andi %iota3A, %and3A_204 : vector<16xi32>
    %mul3A_206 = arith.constant 16 : i32
    %mul3A_207 = vector.broadcast %mul3A_206 : i32 to vector<16xi32>
    %mul3A_208 = arith.muli %and3A_205, %mul3A_207 : vector<16xi32>
    %add3A_209 = arith.addi %mul3A_208, %and3A_97 : vector<16xi32>
    "tpu.region"() ({
      %run_scoped3A = tpu.sem_alloc : memref<!tpu.dma_semaphore, #tpu.memory_space<semaphore_mem>>
      tpu.enqueue_dma source(%arg3 : memref<2x128xf32, #tpu.memory_space<hbm>>) target(%arg7 : memref<2x128xf32, #tpu.memory_space<vmem>>) target_semaphore(%run_scoped3A : memref<!tpu.dma_semaphore, #tpu.memory_space<semaphore_mem>>)
      tpu.wait_dma2 semaphore(%run_scoped3A : memref<!tpu.dma_semaphore, #tpu.memory_space<semaphore_mem>>) src(%arg3 : memref<2x128xf32, #tpu.memory_space<hbm>>) dst(%arg7 : memref<2x128xf32, #tpu.memory_space<vmem>>)
      tpu.yield
    }) : () -> ()
    %sub3A = arith.constant 780 : i32
    %sub3A_210 = arith.subi %sub3A, %add3A : i32
    %jit3A = arith.constant 32 : i32
    %div3A = arith.divsi %sub3A_210, %jit3A : i32
    %sign3A = arith.constant 0 : i32
    %sign3A_211 = arith.cmpi sgt, %sub3A_210, %sign3A : i32
    %sign3A_212 = arith.extui %sign3A_211 : i1 to i32
    %sign3A_213 = arith.constant 0 : i32
    %sign3A_214 = arith.cmpi slt, %sub3A_210, %sign3A_213 : i32
    %sign3A_215 = arith.extui %sign3A_214 : i1 to i32
    %sign3A_216 = arith.subi %sign3A_212, %sign3A_215 : i32
    %sign3A_217 = arith.constant 0 : i32
    %sign3A_218 = arith.cmpi sgt, %jit3A, %sign3A_217 : i32
    %sign3A_219 = arith.extui %sign3A_218 : i1 to i32
    %sign3A_220 = arith.constant 0 : i32
    %sign3A_221 = arith.cmpi slt, %jit3A, %sign3A_220 : i32
    %sign3A_222 = arith.extui %sign3A_221 : i1 to i32
    %sign3A_223 = arith.subi %sign3A_219, %sign3A_222 : i32
    %ne3A = arith.cmpi ne, %sign3A_216, %sign3A_223 : i32
    %rem3A = arith.remsi %sub3A_210, %jit3A : i32
    %ne3A_224 = arith.constant 0 : i32
    %ne3A_225 = arith.cmpi ne, %rem3A, %ne3A_224 : i32
    %and3A_226 = arith.andi %ne3A, %ne3A_225 : i1
    %sub3A_227 = arith.constant 1 : i32
    %sub3A_228 = arith.subi %div3A, %sub3A_227 : i32
    %select_n3A = arith.select %and3A_226, %sub3A_228, %div3A : i32
    %add3A_229 = arith.constant 1 : i32
    %add3A_230 = arith.addi %select_n3A, %add3A_229 : i32
    %mul3A_231 = arith.constant 240 : i32
    %mul3A_232 = arith.muli %add3A, %mul3A_231 : i32
    %dma_start3A = arith.constant 0 : i32
    %dma_start3A_233 = arith.constant 0 : i32
    %dma_start3A_234 = tpu.memref_slice %arg5[%dma_start3A, %dma_start3A_233] : memref<480x128xf32, #tpu.memory_space<vmem>> -> memref<240x128xf32, #tpu.memory_space<vmem>>
    %dma_start3A_235 = arith.constant 0 : i32
    %dma_start3A_236 = tpu.memref_slice %arg2[%mul3A_232, %dma_start3A_235] : memref<187440x128xf32, #tpu.memory_space<hbm>> -> memref<240x128xf32, #tpu.memory_space<hbm>>
    %dma_start3A_237 = arith.constant 0 : i32
    %dma_start3A_238 = arith.constant 0 : i32
    %dma_start3A_239 = tpu.memref_slice %arg5[%dma_start3A_237, %dma_start3A_238] : memref<480x128xf32, #tpu.memory_space<vmem>> -> memref<240x128xf32, #tpu.memory_space<vmem>>
    %dma_start3A_240 = arith.constant 0 : i32
    %dma_start3A_241 = tpu.memref_slice %arg2[%mul3A_232, %dma_start3A_240] : memref<187440x128xf32, #tpu.memory_space<hbm>> -> memref<240x128xf32, #tpu.memory_space<hbm>>
    tpu.enqueue_dma source(%dma_start3A_241 : memref<240x128xf32, #tpu.memory_space<hbm>>) target(%dma_start3A_239 : memref<240x128xf32, #tpu.memory_space<vmem>>) target_semaphore(%arg8 : memref<!tpu.dma_semaphore, #tpu.memory_space<semaphore_mem>>)
    %while3A = arith.constant 0 : i32
    %while3A_242 = arith.constant 0 : i32
    %while3A_243 = arith.subi %add3A_230, %while3A_242 : i32
    %while3A_244 = arith.addi %while3A_242, %while3A_243 : i32
    %while3A_245 = arith.constant 1 : i32
    %while3A_246 = arith.divsi %while3A_243, %while3A_245 : i32
    %while3A_247 = arith.muli %while3A_246, %while3A_245 : i32
    %while3A_248 = arith.addi %while3A_242, %while3A_247 : i32
    %while3A_249 = arith.constant 1 : i32
    scf.for %while3A_262 = %while3A_242 to %while3A_248 step %while3A_249  : i32 {
      %and3A_263 = arith.constant 1 : i32
      %and3A_264 = arith.andi %while3A_262, %and3A_263 : i32
      %mul3A_265 = arith.constant 32 : i32
      %mul3A_266 = arith.muli %while3A_262, %mul3A_265 : i32
      %add3A_267 = arith.addi %add3A, %mul3A_266 : i32
      %mul3A_268 = arith.constant 240 : i32
      %mul3A_269 = arith.muli %and3A_264, %mul3A_268 : i32
      %dma_wait3A_270 = arith.constant 0 : i32
      %dma_wait3A_271 = tpu.memref_slice %arg5[%mul3A_269, %dma_wait3A_270] : memref<480x128xf32, #tpu.memory_space<vmem>> -> memref<240x128xf32, #tpu.memory_space<vmem>>
      %dma_wait3A_272 = arith.constant 0 : i32
      %dma_wait3A_273 = arith.constant 0 : i32
      %dma_wait3A_274 = tpu.memref_slice %arg2[%dma_wait3A_272, %dma_wait3A_273] : memref<187440x128xf32, #tpu.memory_space<hbm>> -> memref<240x128xf32, #tpu.memory_space<hbm>>
      %dma_wait3A_275 = arith.constant 0 : i32
      %dma_wait3A_276 = tpu.memref_slice %arg5[%mul3A_269, %dma_wait3A_275] : memref<480x128xf32, #tpu.memory_space<vmem>> -> memref<240x128xf32, #tpu.memory_space<vmem>>
      %dma_wait3A_277 = arith.constant 0 : i32
      %dma_wait3A_278 = arith.constant 0 : i32
      %dma_wait3A_279 = tpu.memref_slice %arg2[%dma_wait3A_277, %dma_wait3A_278] : memref<187440x128xf32, #tpu.memory_space<hbm>> -> memref<240x128xf32, #tpu.memory_space<hbm>>
      tpu.wait_dma2 semaphore(%arg8 : memref<!tpu.dma_semaphore, #tpu.memory_space<semaphore_mem>>) src(%dma_wait3A_279 : memref<240x128xf32, #tpu.memory_space<hbm>>) dst(%dma_wait3A_276 : memref<240x128xf32, #tpu.memory_space<vmem>>)
      %add3A_280 = arith.constant 1 : i32
      %add3A_281 = arith.addi %while3A_262, %add3A_280 : i32
      %lt3A = arith.cmpi slt, %add3A_281, %add3A_230 : i32
      %convert_element_type3A = arith.extui %lt3A : i1 to i32
      %cond3A = arith.constant 0 : i32
      %cond3A_282 = arith.cmpi ne, %convert_element_type3A, %cond3A : i32
      scf.if %cond3A_282 {
        %add3A_301 = arith.constant 32 : i32
        %add3A_302 = arith.addi %add3A_267, %add3A_301 : i32
        %mul3A_303 = arith.constant 240 : i32
        %mul3A_304 = arith.muli %add3A_302, %mul3A_303 : i32
        %sub3A_305 = arith.constant 1 : i32
        %sub3A_306 = arith.subi %sub3A_305, %and3A_264 : i32
        %mul3A_307 = arith.constant 240 : i32
        %mul3A_308 = arith.muli %sub3A_306, %mul3A_307 : i32
        %dma_start3A_309 = arith.constant 0 : i32
        %dma_start3A_310 = tpu.memref_slice %arg5[%mul3A_308, %dma_start3A_309] : memref<480x128xf32, #tpu.memory_space<vmem>> -> memref<240x128xf32, #tpu.memory_space<vmem>>
        %dma_start3A_311 = arith.constant 0 : i32
        %dma_start3A_312 = tpu.memref_slice %arg2[%mul3A_304, %dma_start3A_311] : memref<187440x128xf32, #tpu.memory_space<hbm>> -> memref<240x128xf32, #tpu.memory_space<hbm>>
        %dma_start3A_313 = arith.constant 0 : i32
        %dma_start3A_314 = tpu.memref_slice %arg5[%mul3A_308, %dma_start3A_313] : memref<480x128xf32, #tpu.memory_space<vmem>> -> memref<240x128xf32, #tpu.memory_space<vmem>>
        %dma_start3A_315 = arith.constant 0 : i32
        %dma_start3A_316 = tpu.memref_slice %arg2[%mul3A_304, %dma_start3A_315] : memref<187440x128xf32, #tpu.memory_space<hbm>> -> memref<240x128xf32, #tpu.memory_space<hbm>>
        tpu.enqueue_dma source(%dma_start3A_316 : memref<240x128xf32, #tpu.memory_space<hbm>>) target(%dma_start3A_314 : memref<240x128xf32, #tpu.memory_space<vmem>>) target_semaphore(%arg8 : memref<!tpu.dma_semaphore, #tpu.memory_space<semaphore_mem>>)
      } else {
      }
      %ge3A = arith.constant 1 : i32
      %ge3A_283 = arith.cmpi sge, %while3A_262, %ge3A : i32
      %convert_element_type3A_284 = arith.extui %ge3A_283 : i1 to i32
      %cond3A_285 = arith.constant 0 : i32
      %cond3A_286 = arith.cmpi ne, %convert_element_type3A_284, %cond3A_285 : i32
      scf.if %cond3A_286 {
        %dma_wait3A_301 = arith.constant 0 : i32
        %dma_wait3A_302 = arith.constant 0 : i32
        %dma_wait3A_303 = tpu.memref_slice %arg6[%dma_wait3A_301, %dma_wait3A_302] : memref<480x128xf32, #tpu.memory_space<vmem>> -> memref<240x128xf32, #tpu.memory_space<vmem>>
        %dma_wait3A_304 = arith.constant 0 : i32
        %dma_wait3A_305 = arith.constant 0 : i32
        %dma_wait3A_306 = tpu.memref_slice %arg4[%dma_wait3A_304, %dma_wait3A_305] : memref<240x99985xf32, #tpu.memory_space<hbm>> -> memref<240x128xf32, #tpu.memory_space<hbm>>
        %dma_wait3A_307 = arith.constant 0 : i32
        %dma_wait3A_308 = arith.constant 0 : i32
        %dma_wait3A_309 = tpu.memref_slice %arg4[%dma_wait3A_307, %dma_wait3A_308] : memref<240x99985xf32, #tpu.memory_space<hbm>> -> memref<240x128xf32, #tpu.memory_space<hbm>>
        %dma_wait3A_310 = arith.constant 0 : i32
        %dma_wait3A_311 = arith.constant 0 : i32
        %dma_wait3A_312 = tpu.memref_slice %arg6[%dma_wait3A_310, %dma_wait3A_311] : memref<480x128xf32, #tpu.memory_space<vmem>> -> memref<240x128xf32, #tpu.memory_space<vmem>>
        tpu.wait_dma2 semaphore(%arg9 : memref<!tpu.dma_semaphore, #tpu.memory_space<semaphore_mem>>) src(%dma_wait3A_312 : memref<240x128xf32, #tpu.memory_space<vmem>>) dst(%dma_wait3A_309 : memref<240x128xf32, #tpu.memory_space<hbm>>)
      } else {
      }
      %mul3A_287 = arith.constant 240 : i32
      %mul3A_288 = arith.muli %and3A_264, %mul3A_287 : i32
      %mul3A_289 = arith.constant 240 : i32
      %mul3A_290 = arith.muli %and3A_264, %mul3A_289 : i32
      %mul3A_291 = arith.constant 128 : i32
      %mul3A_292 = arith.muli %add3A_267, %mul3A_291 : i32
      %dma_start3A_293 = arith.constant 0 : i32
      %dma_start3A_294 = tpu.memref_slice %arg6[%mul3A_290, %dma_start3A_293] : memref<480x128xf32, #tpu.memory_space<vmem>> -> memref<240x128xf32, #tpu.memory_space<vmem>>
      %dma_start3A_295 = arith.constant 0 : i32
      %dma_start3A_296 = tpu.memref_slice %arg4[%dma_start3A_295, %mul3A_292] : memref<240x99985xf32, #tpu.memory_space<hbm>> -> memref<240x128xf32, #tpu.memory_space<hbm>>
      %dma_start3A_297 = arith.constant 0 : i32
      %dma_start3A_298 = tpu.memref_slice %arg4[%dma_start3A_297, %mul3A_292] : memref<240x99985xf32, #tpu.memory_space<hbm>> -> memref<240x128xf32, #tpu.memory_space<hbm>>
      %dma_start3A_299 = arith.constant 0 : i32
      %dma_start3A_300 = tpu.memref_slice %arg6[%mul3A_290, %dma_start3A_299] : memref<480x128xf32, #tpu.memory_space<vmem>> -> memref<240x128xf32, #tpu.memory_space<vmem>>
      tpu.enqueue_dma source(%dma_start3A_300 : memref<240x128xf32, #tpu.memory_space<vmem>>) target(%dma_start3A_298 : memref<240x128xf32, #tpu.memory_space<hbm>>) target_semaphore(%arg9 : memref<!tpu.dma_semaphore, #tpu.memory_space<semaphore_mem>>)
    }
    %while3A_250 = arith.constant 1 : i32
    scf.for %while3A_262 = %while3A_248 to %while3A_244 step %while3A_250  : i32 {
      %and3A_263 = arith.constant 1 : i32
      %and3A_264 = arith.andi %while3A_262, %and3A_263 : i32
      %mul3A_265 = arith.constant 32 : i32
      %mul3A_266 = arith.muli %while3A_262, %mul3A_265 : i32
      %add3A_267 = arith.addi %add3A, %mul3A_266 : i32
      %mul3A_268 = arith.constant 240 : i32
      %mul3A_269 = arith.muli %and3A_264, %mul3A_268 : i32
      %dma_wait3A_270 = arith.constant 0 : i32
      %dma_wait3A_271 = tpu.memref_slice %arg5[%mul3A_269, %dma_wait3A_270] : memref<480x128xf32, #tpu.memory_space<vmem>> -> memref<240x128xf32, #tpu.memory_space<vmem>>
      %dma_wait3A_272 = arith.constant 0 : i32
      %dma_wait3A_273 = arith.constant 0 : i32
      %dma_wait3A_274 = tpu.memref_slice %arg2[%dma_wait3A_272, %dma_wait3A_273] : memref<187440x128xf32, #tpu.memory_space<hbm>> -> memref<240x128xf32, #tpu.memory_space<hbm>>
      %dma_wait3A_275 = arith.constant 0 : i32
      %dma_wait3A_276 = tpu.memref_slice %arg5[%mul3A_269, %dma_wait3A_275] : memref<480x128xf32, #tpu.memory_space<vmem>> -> memref<240x128xf32, #tpu.memory_space<vmem>>
      %dma_wait3A_277 = arith.constant 0 : i32
      %dma_wait3A_278 = arith.constant 0 : i32
      %dma_wait3A_279 = tpu.memref_slice %arg2[%dma_wait3A_277, %dma_wait3A_278] : memref<187440x128xf32, #tpu.memory_space<hbm>> -> memref<240x128xf32, #tpu.memory_space<hbm>>
      tpu.wait_dma2 semaphore(%arg8 : memref<!tpu.dma_semaphore, #tpu.memory_space<semaphore_mem>>) src(%dma_wait3A_279 : memref<240x128xf32, #tpu.memory_space<hbm>>) dst(%dma_wait3A_276 : memref<240x128xf32, #tpu.memory_space<vmem>>)
      %add3A_280 = arith.constant 1 : i32
      %add3A_281 = arith.addi %while3A_262, %add3A_280 : i32
      %lt3A = arith.cmpi slt, %add3A_281, %add3A_230 : i32
      %convert_element_type3A = arith.extui %lt3A : i1 to i32
      %cond3A = arith.constant 0 : i32
      %cond3A_282 = arith.cmpi ne, %convert_element_type3A, %cond3A : i32
      scf.if %cond3A_282 {
        %add3A_301 = arith.constant 32 : i32
        %add3A_302 = arith.addi %add3A_267, %add3A_301 : i32
        %mul3A_303 = arith.constant 240 : i32
        %mul3A_304 = arith.muli %add3A_302, %mul3A_303 : i32
        %sub3A_305 = arith.constant 1 : i32
        %sub3A_306 = arith.subi %sub3A_305, %and3A_264 : i32
        %mul3A_307 = arith.constant 240 : i32
        %mul3A_308 = arith.muli %sub3A_306, %mul3A_307 : i32
        %dma_start3A_309 = arith.constant 0 : i32
        %dma_start3A_310 = tpu.memref_slice %arg5[%mul3A_308, %dma_start3A_309] : memref<480x128xf32, #tpu.memory_space<vmem>> -> memref<240x128xf32, #tpu.memory_space<vmem>>
        %dma_start3A_311 = arith.constant 0 : i32
        %dma_start3A_312 = tpu.memref_slice %arg2[%mul3A_304, %dma_start3A_311] : memref<187440x128xf32, #tpu.memory_space<hbm>> -> memref<240x128xf32, #tpu.memory_space<hbm>>
        %dma_start3A_313 = arith.constant 0 : i32
        %dma_start3A_314 = tpu.memref_slice %arg5[%mul3A_308, %dma_start3A_313] : memref<480x128xf32, #tpu.memory_space<vmem>> -> memref<240x128xf32, #tpu.memory_space<vmem>>
        %dma_start3A_315 = arith.constant 0 : i32
        %dma_start3A_316 = tpu.memref_slice %arg2[%mul3A_304, %dma_start3A_315] : memref<187440x128xf32, #tpu.memory_space<hbm>> -> memref<240x128xf32, #tpu.memory_space<hbm>>
        tpu.enqueue_dma source(%dma_start3A_316 : memref<240x128xf32, #tpu.memory_space<hbm>>) target(%dma_start3A_314 : memref<240x128xf32, #tpu.memory_space<vmem>>) target_semaphore(%arg8 : memref<!tpu.dma_semaphore, #tpu.memory_space<semaphore_mem>>)
      } else {
      }
      %ge3A = arith.constant 1 : i32
      %ge3A_283 = arith.cmpi sge, %while3A_262, %ge3A : i32
      %convert_element_type3A_284 = arith.extui %ge3A_283 : i1 to i32
      %cond3A_285 = arith.constant 0 : i32
      %cond3A_286 = arith.cmpi ne, %convert_element_type3A_284, %cond3A_285 : i32
      scf.if %cond3A_286 {
        %dma_wait3A_301 = arith.constant 0 : i32
        %dma_wait3A_302 = arith.constant 0 : i32
        %dma_wait3A_303 = tpu.memref_slice %arg6[%dma_wait3A_301, %dma_wait3A_302] : memref<480x128xf32, #tpu.memory_space<vmem>> -> memref<240x128xf32, #tpu.memory_space<vmem>>
        %dma_wait3A_304 = arith.constant 0 : i32
        %dma_wait3A_305 = arith.constant 0 : i32
        %dma_wait3A_306 = tpu.memref_slice %arg4[%dma_wait3A_304, %dma_wait3A_305] : memref<240x99985xf32, #tpu.memory_space<hbm>> -> memref<240x128xf32, #tpu.memory_space<hbm>>
        %dma_wait3A_307 = arith.constant 0 : i32
        %dma_wait3A_308 = arith.constant 0 : i32
        %dma_wait3A_309 = tpu.memref_slice %arg4[%dma_wait3A_307, %dma_wait3A_308] : memref<240x99985xf32, #tpu.memory_space<hbm>> -> memref<240x128xf32, #tpu.memory_space<hbm>>
        %dma_wait3A_310 = arith.constant 0 : i32
        %dma_wait3A_311 = arith.constant 0 : i32
        %dma_wait3A_312 = tpu.memref_slice %arg6[%dma_wait3A_310, %dma_wait3A_311] : memref<480x128xf32, #tpu.memory_space<vmem>> -> memref<240x128xf32, #tpu.memory_space<vmem>>
        tpu.wait_dma2 semaphore(%arg9 : memref<!tpu.dma_semaphore, #tpu.memory_space<semaphore_mem>>) src(%dma_wait3A_312 : memref<240x128xf32, #tpu.memory_space<vmem>>) dst(%dma_wait3A_309 : memref<240x128xf32, #tpu.memory_space<hbm>>)
      } else {
      }
      %mul3A_287 = arith.constant 240 : i32
      %mul3A_288 = arith.muli %and3A_264, %mul3A_287 : i32
      %mul3A_289 = arith.constant 240 : i32
      %mul3A_290 = arith.muli %and3A_264, %mul3A_289 : i32
      %mul3A_291 = arith.constant 128 : i32
      %mul3A_292 = arith.muli %add3A_267, %mul3A_291 : i32
      %dma_start3A_293 = arith.constant 0 : i32
      %dma_start3A_294 = tpu.memref_slice %arg6[%mul3A_290, %dma_start3A_293] : memref<480x128xf32, #tpu.memory_space<vmem>> -> memref<240x128xf32, #tpu.memory_space<vmem>>
      %dma_start3A_295 = arith.constant 0 : i32
      %dma_start3A_296 = tpu.memref_slice %arg4[%dma_start3A_295, %mul3A_292] : memref<240x99985xf32, #tpu.memory_space<hbm>> -> memref<240x128xf32, #tpu.memory_space<hbm>>
      %dma_start3A_297 = arith.constant 0 : i32
      %dma_start3A_298 = tpu.memref_slice %arg4[%dma_start3A_297, %mul3A_292] : memref<240x99985xf32, #tpu.memory_space<hbm>> -> memref<240x128xf32, #tpu.memory_space<hbm>>
      %dma_start3A_299 = arith.constant 0 : i32
      %dma_start3A_300 = tpu.memref_slice %arg6[%mul3A_290, %dma_start3A_299] : memref<480x128xf32, #tpu.memory_space<vmem>> -> memref<240x128xf32, #tpu.memory_space<vmem>>
      tpu.enqueue_dma source(%dma_start3A_300 : memref<240x128xf32, #tpu.memory_space<vmem>>) target(%dma_start3A_298 : memref<240x128xf32, #tpu.memory_space<hbm>>) target_semaphore(%arg9 : memref<!tpu.dma_semaphore, #tpu.memory_space<semaphore_mem>>)
    }
    %dma_wait3A = arith.constant 0 : i32
    %dma_wait3A_251 = arith.constant 0 : i32
    %dma_wait3A_252 = tpu.memref_slice %arg6[%dma_wait3A, %dma_wait3A_251] : memref<480x128xf32, #tpu.memory_space<vmem>> -> memref<240x128xf32, #tpu.memory_space<vmem>>
    %dma_wait3A_253 = arith.constant 0 : i32
    %dma_wait3A_254 = arith.constant 0 : i32
    %dma_wait3A_255 = tpu.memref_slice %arg4[%dma_wait3A_253, %dma_wait3A_254] : memref<240x99985xf32, #tpu.memory_space<hbm>> -> memref<240x128xf32, #tpu.memory_space<hbm>>
    %dma_wait3A_256 = arith.constant 0 : i32
    %dma_wait3A_257 = arith.constant 0 : i32
    %dma_wait3A_258 = tpu.memref_slice %arg4[%dma_wait3A_256, %dma_wait3A_257] : memref<240x99985xf32, #tpu.memory_space<hbm>> -> memref<240x128xf32, #tpu.memory_space<hbm>>
    %dma_wait3A_259 = arith.constant 0 : i32
    %dma_wait3A_260 = arith.constant 0 : i32
    %dma_wait3A_261 = tpu.memref_slice %arg6[%dma_wait3A_259, %dma_wait3A_260] : memref<480x128xf32, #tpu.memory_space<vmem>> -> memref<240x128xf32, #tpu.memory_space<vmem>>
    tpu.wait_dma2 semaphore(%arg9 : memref<!tpu.dma_semaphore, #tpu.memory_space<semaphore_mem>>) src(%dma_wait3A_261 : memref<240x128xf32, #tpu.memory_space<vmem>>) dst(%dma_wait3A_258 : memref<240x128xf32, #tpu.memory_space<hbm>>)
    return
  }
}

</mosaic_0001>

<sc_bundles>
// kernel: kernel.4.cloned.1.call-start
scs
__scs_entry_jumppad:
0x0: {  	(pc) =	sbr.rel $0x88, $3  }
0x1: {  	(tag) =	ssettag $0x0;
	lr =	simm.s32 $0x1  }
0x2: {  	[smem:$0x3F9E] =	sst lr;
	_ =	strace $0xD0000000  }
0x3: {  	_ = 	snop  }
0x4: {  	_ = 	snop  }
0x5: {  	_ = 	snop  }
0x6: {  	_ = 	snop  }
0x7: {  	_ = 	snop  }
__scs_overlays_trampoline_lowered:
0x8: {  	[smem:$0x3FAD] =	sst s0  }
0x9: {  	[smem:$0x3FAE] =	sst s1  }
0xa: {  	[smem:$0x3FAF] =	sst s2  }
0xb: {  	[smem:$0x3FB0] =	sst s3  }
0xc: {  	[smem:$0x3FB1] =	sst s4  }
0xd: {  	[smem:$0x3FB2] =	sst s5  }
0xe: {  	[smem:$0x3FB3] =	sst s6  }
0xf: {  	[smem:$0x3FB4] =	sst s7  }
0x10: {  	[smem:$0x3FB5] =	sst s8  }
0x11: {  	[smem:$0x3FB6] =	sst s9;
	s0 =	simm.s32 @!p0 $0x0  }
0x12: {  	s1 =	sld [smem:$0x3F9C];
	s0 =	simm.s32 @p0 $0x1  }
0x13: {  	[smem:$0x3FB7] =	sst s0;
	s0 =	simm.s32 @!p1 $0x0  }
0x14: {  	s2 =	sld [smem:$0x3F9B];
	s0 =	simm.s32 @p1 $0x1  }
0x15: {  	[smem:$0x3FB8] =	sst s0;
	s0 =	simm.s32 @!p2 $0x0  }
0x16: {  	s3 =	sld [smem:$0x3FDB];
	s0 =	simm.s32 @p2 $0x1  }
0x17: {  	s4 =	simm.s32 $0x1BF5;
	[smem:$0x3FBA] =	sst s0  }
0x18: {  	s0 =	sld [smem:$0x3F9D];
	_ =	swait.ge [sflag:s4], $0x0  }
0x19: {  	s7 =	sld [smem:$0x3F9E]  }
0x1a: {  	s8 =	sadd.s32 $0xFFFFE003, lr  }
0x1b: {  	s9 =	sadd.s32 $0xFFFFFEF7, lr;
	s5 =	simm.s32 $0xFFFFFFFF;
	p2 =	slt.u32 s8, $0xFFFFF086  }
0x1c: {  	p1 =	slt.u32 s9, $0xF7A;
	s5 =	simm.s32 @!p2 $0x0  }
0x1d: {  	s5 =	simm.s32 @p1 $0x1;
	p0 =	seq.s32 s7, s2  }
0x1e: {  	s7 =	smul.u32 @!p0 $0xF7A, s2;
	p2 =	seq.s32 @!p0 s5, $0x0  }
0x1f: {  	s9 =	smul.u32 $0xF7A, s1;
	s8 =	simm.s32 @!p0 $0x1BF5;
	p2 =	por !p2, p0  }
0x20: {  	[sflag:s8] =	ssyncset.s32 @!p0 $0xFFFFF086;
	s6 =	sadd.s32 @!p0 s3, s7;
	s7 =	simm.s32 @!p0 $0x108  }
0x21: {  	s3 =	sadd.s32 s3, s9;
	s6 =	sadd.s32 @!p0 $0x88, s6;
	s7 =	simm.s32 @p2 $0x1082  }
0x22: {  	[simem:s7], [sflag:s8] =	dma.local @!p0 [hbm:s6], $0xF7A  }
0x23: {  	s9 =	sor.u32 $0xD0000000, s2;
	s6 =	simm.s32 $0x108;
	_ =	swait.ge @!p0 [sflag:s8], $0x0  }
0x24: {  	s3 =	sadd.s32 $0x88, s3;
	s6 =	simm.s32 @!p1 $0x1082;
	[sflag:s4] =	ssyncset.s32 $0xFFFFF086  }
0x25: {  	[simem:s6], [sflag:s4] =	dma.local [hbm:s3], $0xF7A  }
0x26: {  	[smem:$0x3F9E] =	sst s1;
	(tag) =	ssettag s2;
	_ =	strace s9  }
0x27: {  	s1 =	sld [smem:$0x3FAE]  }
0x28: {  	s2 =	sld [smem:$0x3FAF]  }
0x29: {  	s4 =	sld [smem:$0x3FB1]  }
0x2a: {  	p0 =	seq.s32 s5, $0x0;
	s5 =	sld [smem:$0x3FB2]  }
0x2b: {  	s6 =	sld [smem:$0x3FB3]  }
0x2c: {  	s7 =	sld [smem:$0x3FB4]  }
0x2d: {  	s3 =	simm.s32 $0x108;
	s8 =	sld [smem:$0x3FB5]  }
0x2e: {  	s3 =	simm.s32 @!p0 $0x1082;
	s9 =	sld [smem:$0x3FB6]  }
0x2f: {  	lr =	sadd.s32 s0, s3;
	s0 =	sld [smem:$0x3FAD]  }
0x30: {  	s3 =	sld [smem:$0x3FB0]  }
0x31: {  	[smem:$0x3FB9] =	sst s10  }
0x32: {  	s10 =	sld [smem:$0x3FB7];
	_ =	sdelay $0x3  }
0x33: {  	p0 =	seq.s32 s10, $0x1;
	s10 =	sld [smem:$0x3FB9];
	_ =	sdelay $0x3  }
0x34: {  	[smem:$0x3FB9] =	sst s10  }
0x35: {  	s10 =	sld [smem:$0x3FB8];
	_ =	sdelay $0x3  }
0x36: {  	p1 =	seq.s32 s10, $0x1;
	s10 =	sld [smem:$0x3FB9];
	_ =	sdelay $0x3  }
0x37: {  	[smem:$0x3FB9] =	sst s10  }
0x38: {  	s10 =	sld [smem:$0x3FBA]  }
0x39: {  	_ = 	snop;
	(pc) =	sbr.ind lr, $3  }
0x3a: {  	_ = 	snop  }
0x3b: {  	_ = 	snop  }
0x3c: {  	p2 =	seq.s32 s10, $0x1;
	s10 =	sld [smem:$0x3FB9]  }
0x3d: {  	_ =	shalt  }
0x3e: {  	_ =	shalt  }
0x3f: {  	_ =	shalt  }
0x40: {  	_ =	shalt  }
0x41: {  	_ =	shalt  }
0x42: {  	_ =	shalt  }
0x43: {  	_ =	shalt  }
0x44: {  	_ =	shalt  }
0x45: {  	_ =	shalt  }
0x46: {  	_ =	shalt  }
0x47: {  	_ =	shalt  }
0x48: {  	_ =	shalt  }
0x49: {  	_ =	shalt  }
0x4a: {  	_ =	shalt  }
0x4b: {  	_ =	shalt  }
0x4c: {  	_ =	shalt  }
0x4d: {  	_ =	shalt  }
0x4e: {  	_ =	shalt  }
0x4f: {  	_ =	shalt  }
0x50: {  	_ =	shalt  }
0x51: {  	_ =	shalt  }
0x52: {  	_ =	shalt  }
0x53: {  	_ =	shalt  }
0x54: {  	_ =	shalt  }
0x55: {  	_ =	shalt  }
0x56: {  	_ =	shalt  }
0x57: {  	_ =	shalt  }
0x58: {  	_ =	shalt  }
0x59: {  	_ =	shalt  }
0x5a: {  	_ =	shalt  }
0x5b: {  	_ =	shalt  }
0x5c: {  	_ =	shalt  }
0x5d: {  	_ =	shalt  }
0x5e: {  	_ =	shalt  }
0x5f: {  	_ =	shalt  }
0x60: {  	_ =	shalt  }
0x61: {  	_ =	shalt  }
0x62: {  	_ =	shalt  }
0x63: {  	_ =	shalt  }
0x64: {  	_ =	shalt  }
0x65: {  	_ =	shalt  }
0x66: {  	_ =	shalt  }
0x67: {  	_ =	shalt  }
0x68: {  	_ =	shalt  }
0x69: {  	_ =	shalt  }
0x6a: {  	_ =	shalt  }
0x6b: {  	_ =	shalt  }
0x6c: {  	_ =	shalt  }
0x6d: {  	_ =	shalt  }
0x6e: {  	_ =	shalt  }
0x6f: {  	_ =	shalt  }
0x70: {  	_ =	shalt  }
0x71: {  	_ =	shalt  }
0x72: {  	_ =	shalt  }
0x73: {  	_ =	shalt  }
0x74: {  	_ =	shalt  }
0x75: {  	_ =	shalt  }
0x76: {  	_ =	shalt  }
0x77: {  	_ =	shalt  }
0x78: {  	_ =	shalt  }
0x79: {  	_ =	shalt  }
0x7a: {  	_ =	shalt  }
0x7b: {  	_ =	shalt  }
0x7c: {  	_ =	shalt  }
0x7d: {  	_ =	shalt  }
0x7e: {  	_ =	shalt  }
0x7f: {  	_ =	shalt  }
0x80: {  	_ =	shalt  }
0x81: {  	_ =	shalt  }
0x82: {  	_ =	shalt  }
0x83: {  	_ =	shalt  }
0x84: {  	_ =	shalt  }
0x85: {  	_ =	shalt  }
0x86: {  	_ =	shalt  }
0x87: {  	_ =	shalt  }
.Lfunc_end0:
.L_simem_size_0:
called_computation_lowered:
.L_overlay_start_0:
0x88: {  	s2 =	sld [smem:$0x3FD9]  }
0x89: {  	s3 =	sld [smem:$0x3FFE];
	_ =	sdelay $0x1  }
0x8a: {  	s1 =	srdreg.scid  }
0x8b: {  	s0 =	sand.u32 $0x1, s1  }
0x8c: {  	s17 =	sshll.u32 s0, $0xA;
	s2 =	sadd.s32 s3, s2  }
0x8d: {  	s2 =	sadd.s32 s2, s17  }
0x8e: {  	[smem:$0x3FC5] =	sst s2  }
0x8f: {  	_ = 	snop  }
0x90: {  	s2 =	sld [smem:$0x3FD0];
	(tm) =	ssettm $0x1  }
0x91: {  	s18 =	sld [smem:$0x3FFB];
	_ =	sdelay $0x3  }
0x92: {  	_ =	strace s18  }
0x93: {  	s3 =	sld [smem:$0x3FFC];
	_ =	sdelay $0x3  }
0x94: {  	_ =	strace s3  }
0x95: {  	s3 =	sld [smem:$0x3FFD];
	_ =	sdelay $0x3  }
0x96: {  	_ =	strace s3  }
0x97: {  	_ =	strace $0x8FFFFFFF  }
0x98: {  	s19 =	sld [smem:$0x3FDB];
	_ =	sdelay $0x1  }
0x99: {  	s4 =	simm.s32 $_scs_section_size  }
0x9a: {  	s5 =	simm.s32 $_size__tile_overlayer_lowered;
	s6 =	simm.s32 $_tile_overlayer_lowered  }
0x9b: {  	s22 =	simm.s32 $0x1BFF;
	s21 =	sshll.u32 s6, $0x1;
	s3 =	sadd.s32 s4, s19  }
0x9c: {  	s7 =	simm.s32 $0x0;
	s20 =	sshll.u32 s5, $0x1;
	s5 =	sadd.s32 s21, s3  }
0x9d: {  	[timem:s7], [sflag:s22] =	dma.local [hbm:s5], s20  }
0x9e: {  	_ =	swait.ge [sflag:s22], s20  }
0x9f: {  	s4 =	ssub.s32 $0x0, s20;
	[sflag:s22] =	ssyncset.done $0x0  }
0xa0: {  	[sflag:s22] =	ssyncadd.s32 s4;
	_ =	sdelay $0x1  }
0xa1: {  	s23 =	simm.s32 $0x1B8B  }
0xa2: {  	_ =	swait.ge [sflag:s23], $0x1  }
0xa3: {  	[sflag:s23] =	ssyncset.done $0x0  }
0xa4: {  	s25 =	simm.s32 $0x1B8E;
	s24 =	sld [smem:$0x3FFE];
	[sflag:s23] =	ssyncadd.s32 $0xFFFFFFFF  }
0xa5: {  	s26 =	simm.s32 $execute0_lowered;
	[smem:$0x3FD2] =	sst s25  }
0xa6: {  	s5 =	sshll.u32 s26, $0x1;
	_ =	strace $0x80000046;
	[dreg:$0x1] =	wrdreg $0xFFFFFFFF  }
0xa7: {  	s28 =	simm.s32 $_size_execute0_lowered;
	s3 =	sadd.s32 s3, s5;
	[dreg:$0x0] =	wrdreg $0x0  }
0xa8: {  	s5 =	sshll.u32 s28, $0x1;
	[dreg:$0x2] =	wrdreg s3  }
0xa9: {  	[dreg:$0x3] =	wrdreg s5  }
0xaa: {  	[dreg:$0x4] =	wrdreg $0xC0  }
0xab: {  	_ =	task [dreg:s7], $0x5FFFF  }
0xac: {  	[dreg:$0x1] =	wrdreg $0xFFFFFFFF  }
0xad: {  	[dreg:$0x0] =	wrdreg $0x60  }
0xae: {  	[dreg:$0x2] =	wrdreg s24  }
0xaf: {  	[dreg:$0x3] =	wrdreg s2  }
0xb0: {  	[dreg:$0x4] =	wrdreg $0x9  }
0xb1: {  	_ =	task.clear_ibuf [dreg:s7], $0x5FFFF;
	_ =	strace $0x90000046  }
0xb2: {  	s29 =	simm.s32 $0x9;
	_ =	strace $0x80000048  }
0xb3: {  	_ =	swait.ge [sflag:s29], $0x1  }
0xb4: {  	[sflag:s29] =	ssyncadd.s32 $0xFFFFFFFF  }
0xb5: {  	_ =	strace $0x90000048  }
0xb6: {  	_ =	sfence  }
0xb7: {  	s30 =	sld [smem:$0x0];
	_ =	sdelay $0x2  }
0xb8: {  	s31 =	sshll.u32 s1, $0xD;
	s1 =	sshrl.u32 s1, $0x2  }
0xb9: {  	s3 =	sand.u32 $0x4000, s31;
	s1 =	sadd.s32 s1, s30  }
0xba: {  	s0 =	sor.u32 s3, s0;
	s1 =	sshll.u32 s1, $0x11  }
0xbb: {  	s0 =	sor.u32 s1, s0  }
0xbc: {  	s0 =	sadd.s32 $0x8F2B, s0  }
0xbd: {  	[sflag:s0] =	ssyncadd.remote.s32 $0x1  }
0xbe: {  	_ =	sfence.sel $0xFFFF  }
0xbf: {  	[dreg:$0x0] =	wrdreg $0xFFFFFFFF;
	(pc) =	sbr.abs _section_cstart, $3  }
0xc0: {  	[dreg:$0x1] =	wrdreg $0xFFFFFFFF  }
0xc1: {  	_ =	task.clear_ibuf [dreg:s7], $0x2FFFF;
	_ =	strace $0x9FFFFFFF  }
0xc2: {  	(tm) =	ssettm $0x7FFFFFFF  }
0xc3: {  	_ =	shalt  }
tec
execute0_lowered:
.L_overlay_start_1:
0x0: {  	(tag) =	ssettag $0x1  }
0x1: {  	s5 =	rddreg [dreg:$0x0];
	s1 =	srdreg.scid  }
0x2: {  	s0 =	stileid.u32;
	s2 =	rddreg [dreg:$0x1];
	s28 =	simm.s32 $0x18698  }
0x3: {  	s30 =	simm.s32 $0x7800;
	s10 =	simm.s32 $0x2;
	s11 =	simm.s32 $0x0  }
0x4: {  	s6 =	sand.u32 $0x1, s1;
	s3 =	sshll.u32 s0, $0x1;
	s1 =	rddreg [dreg:$0x2]  }
0x5: {  	s4 =	smul.u32 $0x30, s0;
	s23 =	sadd.s32 $0xE00, s5;
	s7 =	sor.u32 s6, s3  }
0x6: {  	s3 =	simm.s32 $0x0;
	s9 =	smul.u32 $0x18, s6;
	s6 =	ssub.s32 $0x2, s6  }
0x7: {  	s8 =	smin.u32 s7, $0xD;
	[smem:$0x7FF] =	sst s3;
	s25 =	sshrl.u32 s6, $0x1  }
0x8: {  	p0 =	slt.u32 s7, $0xD;
	_ =	strace $0x80000047;
	[dreg:$0x3] =	wrdreg s23  }
0x9: {  	s7 =	simm.s32 $0x3200;
	s4 =	sor.u32 s4, s8;
	[dreg:$0x4] =	wrdreg s28  }
0xa: {  	s7 =	simm.s32 @!p0 $0x3000;
	[dreg:$0x5] =	wrdreg s30;
	s4 =	sadd.s32 s9, s4  }
0xb: {  	s26 =	ssub.s32 s6, s25;
	[dreg:$0x7] =	wrdreg s7;
	s24 =	smul.u32 $0xF00, s4  }
0xc: {  	s7 =	simm.s32 $0x80;
	s9 =	simm.s32 $0x1;
	s29 =	sshll.u32 s4, $0x9  }
0xd: {  	s31 =	sshrl.u32 s29, $0x2;
	s8 =	sadd.s32 s24, s5;
	s5 =	smax.u32 s26, $0x1  }
0xe: {  	[dreg:$0x6] =	wrdreg s31;
	s6 =	sadd.s32 $0x1B5600, s8;
	s8 =	simm.s32 $0x3  }
.LBB2_1:
0xf: {  	s12 =	smov.u32 s4  }
0x10: {  	s13 =	smov.u32 s6;
	s14 =	simm.s32 $0x0;
	s15 =	simm.s32 $0x0  }
.LBB2_2:
0x11: {  	s16 =	sadd.s32 s15, s4  }
0x12: {  	p0 =	slt.s32 s16, $0x30C  }
0x13: {  	s16 =	simm.s32 @!p0 $0x30C  }
0x14: {  	s17 =	rddreg [dreg:$0x3];
	s16 =	sshll.u32 s16, $0x4  }
0x15: {  	s18 =	rddreg [dreg:$0x4];
	s16 =	sadd.s32 s17, s16  }
0x16: {  	[tilespmem:s3], [sflag:$0x3] =	stream.strided.gather [hbm4b:s16+s7], $0x780, s18, s7, $0x38;
	[tilespmem:$0xF780] =	vst v63  }
0x17: {  	p0 =	slt.s32 s12, $0x30C;
	s16 =	smov.u32 s12  }
0x18: {  	s16 =	simm.s32 @!p0 $0x30C  }
0x19: {  	s19 =	sand.u32 $0x1, s15;
	_ =	swait.ge [sflag:s8], $0x780;
	s16 =	sshll.u32 s16, $0x9  }
0x1a: {  	s25 =	sshra.s32 s14, $0x2;
	s17 =	rddreg [dreg:$0x5];
	s16 =	ssub.s32 $0x0, s16  }
0x1b: {  	p0 =	seq.s32 s19, $0x1;
	s24 =	rddreg [dreg:$0x6];
	s16 =	sshra.s32 s16, $0x2  }
0x1c: {  	[sflag:s8] =	ssyncset.done $0x0;
	s17 =	simm.s32 @!p0 $0x0;
	s18 =	sadd.s32 s24, s16  }
0x1d: {  	[sflag:s8] =	ssyncadd.s32 $0xFFFFF880;
	s16 =	sor.u32 $0x780, s17;
	s18 =	sadd.s32 s25, s18  }
0x1e: {  	[tilespmem:s16], [sflag:$0x1] =	stream.indirect.gather [hbm4b:s2+s7], $0x10, s18, s7, $0xb8;
	[tilespmem:$0xF780] =	vst v63  }
0x1f: {  	s26 =	sadd.s32 $0xF80, s17;
	s20 =	sadd.s32 $0x80, s18  }
0x20: {  	[tilespmem:s26], [sflag:$0x1] =	stream.indirect.gather [hbm4b:s2+s7], $0x10, s20, s7, $0xb8;
	[tilespmem:$0xF780] =	vst v63  }
0x21: {  	s28 =	sadd.s32 $0x1780, s17;
	s29 =	sadd.s32 $0x100, s18  }
0x22: {  	[tilespmem:s28], [sflag:$0x1] =	stream.indirect.gather [hbm4b:s2+s7], $0x10, s29, s7, $0xb8;
	[tilespmem:$0xF780] =	vst v63  }
0x23: {  	s30 =	sadd.s32 $0x1F80, s17;
	s31 =	sadd.s32 $0x180, s18  }
0x24: {  	[tilespmem:s30], [sflag:$0x1] =	stream.indirect.gather [hbm4b:s2+s7], $0x10, s31, s7, $0xb8;
	[tilespmem:$0xF780] =	vst v63  }
0x25: {  	s21 =	sadd.s32 $0x2780, s17;
	s22 =	sadd.s32 $0x200, s18  }
0x26: {  	[tilespmem:s21], [sflag:$0x1] =	stream.indirect.gather [hbm4b:s2+s7], $0x10, s22, s7, $0xb8;
	[tilespmem:$0xF780] =	vst v63  }
0x27: {  	s23 =	sadd.s32 $0x2F80, s17;
	s24 =	sadd.s32 $0x280, s18  }
0x28: {  	[tilespmem:s23], [sflag:$0x1] =	stream.indirect.gather [hbm4b:s2+s7], $0x10, s24, s7, $0xb8;
	[tilespmem:$0xF780] =	vst v63  }
0x29: {  	s25 =	sadd.s32 $0x3780, s17;
	s26 =	sadd.s32 $0x300, s18  }
0x2a: {  	[tilespmem:s25], [sflag:$0x1] =	stream.indirect.gather [hbm4b:s2+s7], $0x10, s26, s7, $0xb8;
	[tilespmem:$0xF780] =	vst v63  }
0x2b: {  	s28 =	sadd.s32 $0x3F80, s17;
	s29 =	sadd.s32 $0x380, s18  }
0x2c: {  	[tilespmem:s28], [sflag:$0x1] =	stream.indirect.gather [hbm4b:s2+s7], $0x10, s29, s7, $0xb8;
	[tilespmem:$0xF780] =	vst v63  }
0x2d: {  	s30 =	sadd.s32 $0x4780, s17;
	s31 =	sadd.s32 $0x400, s18  }
0x2e: {  	[tilespmem:s30], [sflag:$0x1] =	stream.indirect.gather [hbm4b:s2+s7], $0x10, s31, s7, $0xb8;
	[tilespmem:$0xF780] =	vst v63  }
0x2f: {  	s20 =	sadd.s32 $0x4F80, s17;
	s21 =	sadd.s32 $0x480, s18  }
0x30: {  	[tilespmem:s20], [sflag:$0x1] =	stream.indirect.gather [hbm4b:s2+s7], $0x10, s21, s7, $0xb8;
	[tilespmem:$0xF780] =	vst v63  }
0x31: {  	s22 =	sadd.s32 $0x5780, s17;
	s23 =	sadd.s32 $0x500, s18  }
0x32: {  	[tilespmem:s22], [sflag:$0x1] =	stream.indirect.gather [hbm4b:s2+s7], $0x10, s23, s7, $0xb8;
	[tilespmem:$0xF780] =	vst v63  }
0x33: {  	s24 =	sadd.s32 $0x5F80, s17;
	s25 =	sadd.s32 $0x580, s18  }
0x34: {  	[tilespmem:s24], [sflag:$0x1] =	stream.indirect.gather [hbm4b:s2+s7], $0x10, s25, s7, $0xb8;
	[tilespmem:$0xF780] =	vst v63  }
0x35: {  	s26 =	sadd.s32 $0x6780, s17;
	s28 =	sadd.s32 $0x600, s18  }
0x36: {  	[tilespmem:s26], [sflag:$0x1] =	stream.indirect.gather [hbm4b:s2+s7], $0x10, s28, s7, $0xb8;
	[tilespmem:$0xF780] =	vst v63  }
0x37: {  	s29 =	sadd.s32 $0x6F80, s17;
	s30 =	sadd.s32 $0x680, s18  }
0x38: {  	[tilespmem:s29], [sflag:$0x1] =	stream.indirect.gather [hbm4b:s2+s7], $0x10, s30, s7, $0xb8;
	[tilespmem:$0xF780] =	vst v63  }
0x39: {  	s17 =	sadd.s32 $0x7780, s17;
	s18 =	sadd.s32 $0x700, s18  }
0x3a: {  	[tilespmem:s17], [sflag:$0x1] =	stream.indirect.gather [hbm4b:s2+s7], $0x10, s18, s7, $0xb8;
	[tilespmem:$0xF780] =	vst v63  }
0x3b: {  	_ =	swait.ge [sflag:s9], $0x800  }
0x3c: {  	[sflag:s9] =	ssyncset.done $0x0  }
0x3d: {  	[sflag:s9] =	ssyncadd.s32 $0xFFFFF800  }
0x3e: {  	_ =	swait.ge [sflag:s9], $0x800  }
0x3f: {  	[sflag:s9] =	ssyncset.done $0x0  }
0x40: {  	[sflag:s9] =	ssyncadd.s32 $0xFFFFF800  }
0x41: {  	_ =	swait.ge [sflag:s9], $0x800  }
0x42: {  	[sflag:s9] =	ssyncset.done $0x0  }
0x43: {  	[sflag:s9] =	ssyncadd.s32 $0xFFFFF800  }
0x44: {  	_ =	swait.ge [sflag:s9], $0x800  }
0x45: {  	[sflag:s9] =	ssyncset.done $0x0  }
0x46: {  	[sflag:s9] =	ssyncadd.s32 $0xFFFFF800  }
0x47: {  	_ =	swait.ge [sflag:s9], $0x800  }
0x48: {  	[sflag:s9] =	ssyncset.done $0x0  }
0x49: {  	[sflag:s9] =	ssyncadd.s32 $0xFFFFF800  }
0x4a: {  	_ =	swait.ge [sflag:s9], $0x800  }
0x4b: {  	[sflag:s9] =	ssyncset.done $0x0  }
0x4c: {  	[sflag:s9] =	ssyncadd.s32 $0xFFFFF800  }
0x4d: {  	_ =	swait.ge [sflag:s9], $0x800  }
0x4e: {  	[sflag:s9] =	ssyncset.done $0x0  }
0x4f: {  	[sflag:s9] =	ssyncadd.s32 $0xFFFFF800  }
0x50: {  	_ =	swait.ge [sflag:s9], $0x800  }
0x51: {  	[sflag:s9] =	ssyncset.done $0x0  }
0x52: {  	[sflag:s9] =	ssyncadd.s32 $0xFFFFF800  }
0x53: {  	_ =	swait.ge [sflag:s9], $0x800  }
0x54: {  	[sflag:s9] =	ssyncset.done $0x0  }
0x55: {  	[sflag:s9] =	ssyncadd.s32 $0xFFFFF800  }
0x56: {  	_ =	swait.ge [sflag:s9], $0x800  }
0x57: {  	[sflag:s9] =	ssyncset.done $0x0  }
0x58: {  	[sflag:s9] =	ssyncadd.s32 $0xFFFFF800  }
0x59: {  	_ =	swait.ge [sflag:s9], $0x800  }
0x5a: {  	[sflag:s9] =	ssyncset.done $0x0  }
0x5b: {  	[sflag:s9] =	ssyncadd.s32 $0xFFFFF800  }
0x5c: {  	_ =	swait.ge [sflag:s9], $0x800  }
0x5d: {  	[sflag:s9] =	ssyncset.done $0x0  }
0x5e: {  	[sflag:s9] =	ssyncadd.s32 $0xFFFFF800  }
0x5f: {  	_ =	swait.ge [sflag:s9], $0x800  }
0x60: {  	[sflag:s9] =	ssyncset.done $0x0  }
0x61: {  	[sflag:s9] =	ssyncadd.s32 $0xFFFFF800  }
0x62: {  	_ =	swait.ge [sflag:s9], $0x800  }
0x63: {  	[sflag:s9] =	ssyncset.done $0x0  }
0x64: {  	[sflag:s9] =	ssyncadd.s32 $0xFFFFF800  }
0x65: {  	_ =	swait.ge [sflag:s9], $0x800  }
0x66: {  	p0 =	seq.s32 s14, $0x0;
	[sflag:s9] =	ssyncset.done $0x0  }
0x67: {  	s17 =	simm.s32 @!p0 $0x2;
	[sflag:s9] =	ssyncadd.s32 $0xFFFFF800  }
0x68: {  	_ =	swait.ge @!p0 [sflag:s17], $0x7800  }
0x69: {  	s14 =	sadd.s32 $0x200, s14;
	[sflag:s17] =	ssyncset.done @!p0 $0x0;
	s31 =	rddreg [dreg:$0x7]  }
0x6a: {  	[sflag:s17] =	ssyncadd.s32 @!p0 $0xFFFF8800;
	p0 =	sne.s32 s31, s14  }
.Ltmp0:
0x6b: {  	_ = 	snop;
	(pc) =	sbr.rel @p0 .LBB2_2-.Ltmp0, $3  }
0x6c: {  	_ =	sdelay $0x1  }
0x6d: {  	[hbm4b:s13+s3] =	stream.linear.scatter [tilespmem:s16], [sflag:$0x2], $0x7800, $0x38;
	[tilespmem:$0xF780] =	vst v63  }
0x6e: {  	s15 =	sadd.s32 $0x1, s15;
	s12 =	sadd.s32 $0x1, s12;
	s13 =	sadd.s32 $0xF00, s13  }
0x6f: {  	s11 =	sadd.s32 $0x1, s11  }
0x70: {  	p0 =	sne.s32 s11, s5  }
.Ltmp1:
0x71: {  	_ = 	snop;
	(pc) =	sbr.rel @p0 .LBB2_1-.Ltmp1, $4  }
0x72: {  	_ = 	snop  }
0x73: {  	_ =	swait.ge [sflag:s10], $0x7800  }
0x74: {  	[sflag:s10] =	ssyncset.done $0x0  }
0x75: {  	[sflag:s10] =	ssyncadd.s32 $0xFFFF8800  }
0x76: {  	_ =	sfence.sel $0x180000  }
0x77: {  	[bflag:$0x0] =	sbarrier.arrive $0xFFFF  }
0x78: {  	p0 =	sne.s32 s0, $0x0;
	_ =	strace $0x90000047  }
0x79: {  	s0 =	sadd.s32 @!p0 $0x100000, s1;
	[bflag:$0x2] =	sbarrier.arrive $0xFFFF  }
0x7a: {  	[sflag:s0] =	ssyncadd.tile.s32 @!p0 $0x1;
	_ =	shalt  }
.Lfunc_end2:
_tile_overlayer_lowered:
.L_overlay_start_2:
0x7b: {  	(tag) =	ssettag $0x2  }
0x7c: {  	s0 =	rddreg [dreg:$0x0];
	s2 =	stileid.u32  }
0x7d: {  	s1 =	rddreg [dreg:$0x1];
	p0 =	sne.s32 s2, $0x0  }
0x7e: {  	s3 =	rddreg [dreg:$0x2];
	[bflag:$0x3] =	sbarrier.arrive $0xFFFF;
	s2 =	simm.s32 @!p0 $0x1C03  }
0x7f: {  	[timem:s3], [sflag:s2] =	dma.local @!p0 [hbm:s0], s1  }
0x80: {  	s0 =	simm.s32 @!p0 $0x3  }
0x81: {  	_ =	swait.ge @!p0 [sflag:s0], s1  }
0x82: {  	s1 =	ssub.s32 @!p0 $0x0, s1;
	[sflag:s0] =	ssyncset.done @!p0 $0x0  }
0x83: {  	[sflag:s0] =	ssyncadd.s32 @!p0 s1  }
0x84: {  	[bflag:$0x3] =	sbarrier.arrive $0xFFFF  }
0x85: {  	_ =	shalt  }

// kernel: kernel.7.cloned.1.call-start
scs
__scs_entry_jumppad:
0x0: {  	(pc) =	sbr.rel $0x88, $3  }
0x1: {  	(tag) =	ssettag $0x0;
	lr =	simm.s32 $0x1  }
0x2: {  	[smem:$0x3F9E] =	sst lr;
	_ =	strace $0xD0000000  }
0x3: {  	_ = 	snop  }
0x4: {  	_ = 	snop  }
0x5: {  	_ = 	snop  }
0x6: {  	_ = 	snop  }
0x7: {  	_ = 	snop  }
__scs_overlays_trampoline_lowered:
0x8: {  	[smem:$0x3FAD] =	sst s0  }
0x9: {  	[smem:$0x3FAE] =	sst s1  }
0xa: {  	[smem:$0x3FAF] =	sst s2  }
0xb: {  	[smem:$0x3FB0] =	sst s3  }
0xc: {  	[smem:$0x3FB1] =	sst s4  }
0xd: {  	[smem:$0x3FB2] =	sst s5  }
0xe: {  	[smem:$0x3FB3] =	sst s6  }
0xf: {  	[smem:$0x3FB4] =	sst s7  }
0x10: {  	[smem:$0x3FB5] =	sst s8  }
0x11: {  	[smem:$0x3FB6] =	sst s9;
	s0 =	simm.s32 @!p0 $0x0  }
0x12: {  	s1 =	sld [smem:$0x3F9C];
	s0 =	simm.s32 @p0 $0x1  }
0x13: {  	[smem:$0x3FB7] =	sst s0;
	s0 =	simm.s32 @!p1 $0x0  }
0x14: {  	s2 =	sld [smem:$0x3F9B];
	s0 =	simm.s32 @p1 $0x1  }
0x15: {  	[smem:$0x3FB8] =	sst s0;
	s0 =	simm.s32 @!p2 $0x0  }
0x16: {  	s3 =	sld [smem:$0x3FDB];
	s0 =	simm.s32 @p2 $0x1  }
0x17: {  	s4 =	simm.s32 $0x1BF5;
	[smem:$0x3FBA] =	sst s0  }
0x18: {  	s0 =	sld [smem:$0x3F9D];
	_ =	swait.ge [sflag:s4], $0x0  }
0x19: {  	s7 =	sld [smem:$0x3F9E]  }
0x1a: {  	s8 =	sadd.s32 $0xFFFFE003, lr  }
0x1b: {  	s9 =	sadd.s32 $0xFFFFFEF7, lr;
	s5 =	simm.s32 $0xFFFFFFFF;
	p2 =	slt.u32 s8, $0xFFFFF086  }
0x1c: {  	p1 =	slt.u32 s9, $0xF7A;
	s5 =	simm.s32 @!p2 $0x0  }
0x1d: {  	s5 =	simm.s32 @p1 $0x1;
	p0 =	seq.s32 s7, s2  }
0x1e: {  	s7 =	smul.u32 @!p0 $0xF7A, s2;
	p2 =	seq.s32 @!p0 s5, $0x0  }
0x1f: {  	s9 =	smul.u32 $0xF7A, s1;
	s8 =	simm.s32 @!p0 $0x1BF5;
	p2 =	por !p2, p0  }
0x20: {  	[sflag:s8] =	ssyncset.s32 @!p0 $0xFFFFF086;
	s6 =	sadd.s32 @!p0 s3, s7;
	s7 =	simm.s32 @!p0 $0x108  }
0x21: {  	s3 =	sadd.s32 s3, s9;
	s6 =	sadd.s32 @!p0 $0x88, s6;
	s7 =	simm.s32 @p2 $0x1082  }
0x22: {  	[simem:s7], [sflag:s8] =	dma.local @!p0 [hbm:s6], $0xF7A  }
0x23: {  	s9 =	sor.u32 $0xD0000000, s2;
	s6 =	simm.s32 $0x108;
	_ =	swait.ge @!p0 [sflag:s8], $0x0  }
0x24: {  	s3 =	sadd.s32 $0x88, s3;
	s6 =	simm.s32 @!p1 $0x1082;
	[sflag:s4] =	ssyncset.s32 $0xFFFFF086  }
0x25: {  	[simem:s6], [sflag:s4] =	dma.local [hbm:s3], $0xF7A  }
0x26: {  	[smem:$0x3F9E] =	sst s1;
	(tag) =	ssettag s2;
	_ =	strace s9  }
0x27: {  	s1 =	sld [smem:$0x3FAE]  }
0x28: {  	s2 =	sld [smem:$0x3FAF]  }
0x29: {  	s4 =	sld [smem:$0x3FB1]  }
0x2a: {  	p0 =	seq.s32 s5, $0x0;
	s5 =	sld [smem:$0x3FB2]  }
0x2b: {  	s6 =	sld [smem:$0x3FB3]  }
0x2c: {  	s7 =	sld [smem:$0x3FB4]  }
0x2d: {  	s3 =	simm.s32 $0x108;
	s8 =	sld [smem:$0x3FB5]  }
0x2e: {  	s3 =	simm.s32 @!p0 $0x1082;
	s9 =	sld [smem:$0x3FB6]  }
0x2f: {  	lr =	sadd.s32 s0, s3;
	s0 =	sld [smem:$0x3FAD]  }
0x30: {  	s3 =	sld [smem:$0x3FB0]  }
0x31: {  	[smem:$0x3FB9] =	sst s10  }
0x32: {  	s10 =	sld [smem:$0x3FB7];
	_ =	sdelay $0x3  }
0x33: {  	p0 =	seq.s32 s10, $0x1;
	s10 =	sld [smem:$0x3FB9];
	_ =	sdelay $0x3  }
0x34: {  	[smem:$0x3FB9] =	sst s10  }
0x35: {  	s10 =	sld [smem:$0x3FB8];
	_ =	sdelay $0x3  }
0x36: {  	p1 =	seq.s32 s10, $0x1;
	s10 =	sld [smem:$0x3FB9];
	_ =	sdelay $0x3  }
0x37: {  	[smem:$0x3FB9] =	sst s10  }
0x38: {  	s10 =	sld [smem:$0x3FBA]  }
0x39: {  	_ = 	snop;
	(pc) =	sbr.ind lr, $3  }
0x3a: {  	_ = 	snop  }
0x3b: {  	_ = 	snop  }
0x3c: {  	p2 =	seq.s32 s10, $0x1;
	s10 =	sld [smem:$0x3FB9]  }
0x3d: {  	_ =	shalt  }
0x3e: {  	_ =	shalt  }
0x3f: {  	_ =	shalt  }
0x40: {  	_ =	shalt  }
0x41: {  	_ =	shalt  }
0x42: {  	_ =	shalt  }
0x43: {  	_ =	shalt  }
0x44: {  	_ =	shalt  }
0x45: {  	_ =	shalt  }
0x46: {  	_ =	shalt  }
0x47: {  	_ =	shalt  }
0x48: {  	_ =	shalt  }
0x49: {  	_ =	shalt  }
0x4a: {  	_ =	shalt  }
0x4b: {  	_ =	shalt  }
0x4c: {  	_ =	shalt  }
0x4d: {  	_ =	shalt  }
0x4e: {  	_ =	shalt  }
0x4f: {  	_ =	shalt  }
0x50: {  	_ =	shalt  }
0x51: {  	_ =	shalt  }
0x52: {  	_ =	shalt  }
0x53: {  	_ =	shalt  }
0x54: {  	_ =	shalt  }
0x55: {  	_ =	shalt  }
0x56: {  	_ =	shalt  }
0x57: {  	_ =	shalt  }
0x58: {  	_ =	shalt  }
0x59: {  	_ =	shalt  }
0x5a: {  	_ =	shalt  }
0x5b: {  	_ =	shalt  }
0x5c: {  	_ =	shalt  }
0x5d: {  	_ =	shalt  }
0x5e: {  	_ =	shalt  }
0x5f: {  	_ =	shalt  }
0x60: {  	_ =	shalt  }
0x61: {  	_ =	shalt  }
0x62: {  	_ =	shalt  }
0x63: {  	_ =	shalt  }
0x64: {  	_ =	shalt  }
0x65: {  	_ =	shalt  }
0x66: {  	_ =	shalt  }
0x67: {  	_ =	shalt  }
0x68: {  	_ =	shalt  }
0x69: {  	_ =	shalt  }
0x6a: {  	_ =	shalt  }
0x6b: {  	_ =	shalt  }
0x6c: {  	_ =	shalt  }
0x6d: {  	_ =	shalt  }
0x6e: {  	_ =	shalt  }
0x6f: {  	_ =	shalt  }
0x70: {  	_ =	shalt  }
0x71: {  	_ =	shalt  }
0x72: {  	_ =	shalt  }
0x73: {  	_ =	shalt  }
0x74: {  	_ =	shalt  }
0x75: {  	_ =	shalt  }
0x76: {  	_ =	shalt  }
0x77: {  	_ =	shalt  }
0x78: {  	_ =	shalt  }
0x79: {  	_ =	shalt  }
0x7a: {  	_ =	shalt  }
0x7b: {  	_ =	shalt  }
0x7c: {  	_ =	shalt  }
0x7d: {  	_ =	shalt  }
0x7e: {  	_ =	shalt  }
0x7f: {  	_ =	shalt  }
0x80: {  	_ =	shalt  }
0x81: {  	_ =	shalt  }
0x82: {  	_ =	shalt  }
0x83: {  	_ =	shalt  }
0x84: {  	_ =	shalt  }
0x85: {  	_ =	shalt  }
0x86: {  	_ =	shalt  }
0x87: {  	_ =	shalt  }
.Lfunc_end0:
.L_simem_size_0:
called_computation.1_lowered:
.L_overlay_start_0:
0x88: {  	s2 =	sld [smem:$0x3FD9]  }
0x89: {  	s3 =	sld [smem:$0x3FFE];
	_ =	sdelay $0x1  }
0x8a: {  	s1 =	srdreg.scid  }
0x8b: {  	s0 =	sand.u32 $0x1, s1  }
0x8c: {  	s17 =	sshll.u32 s0, $0xA;
	s2 =	sadd.s32 s3, s2  }
0x8d: {  	s2 =	sadd.s32 s2, s17  }
0x8e: {  	[smem:$0x3FC5] =	sst s2  }
0x8f: {  	_ = 	snop  }
0x90: {  	s2 =	sld [smem:$0x3FD0];
	(tm) =	ssettm $0x1  }
0x91: {  	s18 =	sld [smem:$0x3FFB];
	_ =	sdelay $0x3  }
0x92: {  	_ =	strace s18  }
0x93: {  	s3 =	sld [smem:$0x3FFC];
	_ =	sdelay $0x3  }
0x94: {  	_ =	strace s3  }
0x95: {  	s3 =	sld [smem:$0x3FFD];
	_ =	sdelay $0x3  }
0x96: {  	_ =	strace s3  }
0x97: {  	_ =	strace $0x8FFFFFFF  }
0x98: {  	s19 =	sld [smem:$0x3FDB];
	_ =	sdelay $0x1  }
0x99: {  	s4 =	simm.s32 $_scs_section_size  }
0x9a: {  	s5 =	simm.s32 $_size__tile_overlayer_lowered;
	s6 =	simm.s32 $_tile_overlayer_lowered  }
0x9b: {  	s22 =	simm.s32 $0x1BFF;
	s21 =	sshll.u32 s6, $0x1;
	s3 =	sadd.s32 s4, s19  }
0x9c: {  	s7 =	simm.s32 $0x0;
	s20 =	sshll.u32 s5, $0x1;
	s5 =	sadd.s32 s21, s3  }
0x9d: {  	[timem:s7], [sflag:s22] =	dma.local [hbm:s5], s20  }
0x9e: {  	_ =	swait.ge [sflag:s22], s20  }
0x9f: {  	s4 =	ssub.s32 $0x0, s20;
	[sflag:s22] =	ssyncset.done $0x0  }
0xa0: {  	[sflag:s22] =	ssyncadd.s32 s4;
	_ =	sdelay $0x1  }
0xa1: {  	s23 =	simm.s32 $0x1B8B  }
0xa2: {  	_ =	swait.ge [sflag:s23], $0x1  }
0xa3: {  	[sflag:s23] =	ssyncset.done $0x0  }
0xa4: {  	s25 =	simm.s32 $0x1B8E;
	s24 =	sld [smem:$0x3FFE];
	[sflag:s23] =	ssyncadd.s32 $0xFFFFFFFF  }
0xa5: {  	s26 =	simm.s32 $execute0_lowered;
	[smem:$0x3FD2] =	sst s25  }
0xa6: {  	s5 =	sshll.u32 s26, $0x1;
	_ =	strace $0x80000049;
	[dreg:$0x1] =	wrdreg $0xFFFFFFFF  }
0xa7: {  	s28 =	simm.s32 $_size_execute0_lowered;
	s3 =	sadd.s32 s3, s5;
	[dreg:$0x0] =	wrdreg $0x0  }
0xa8: {  	s5 =	sshll.u32 s28, $0x1;
	[dreg:$0x2] =	wrdreg s3  }
0xa9: {  	[dreg:$0x3] =	wrdreg s5  }
0xaa: {  	[dreg:$0x4] =	wrdreg $0xC0  }
0xab: {  	_ =	task [dreg:s7], $0x5FFFF  }
0xac: {  	[dreg:$0x1] =	wrdreg $0xFFFFFFFF  }
0xad: {  	[dreg:$0x0] =	wrdreg $0x60  }
0xae: {  	[dreg:$0x2] =	wrdreg s24  }
0xaf: {  	[dreg:$0x3] =	wrdreg s2  }
0xb0: {  	[dreg:$0x4] =	wrdreg $0x9  }
0xb1: {  	_ =	task.clear_ibuf [dreg:s7], $0x5FFFF;
	_ =	strace $0x90000049  }
0xb2: {  	s29 =	simm.s32 $0x9;
	_ =	strace $0x8000004B  }
0xb3: {  	_ =	swait.ge [sflag:s29], $0x1  }
0xb4: {  	[sflag:s29] =	ssyncadd.s32 $0xFFFFFFFF  }
0xb5: {  	_ =	strace $0x9000004B  }
0xb6: {  	_ =	sfence  }
0xb7: {  	s30 =	sld [smem:$0x0];
	_ =	sdelay $0x2  }
0xb8: {  	s31 =	sshll.u32 s1, $0xD;
	s1 =	sshrl.u32 s1, $0x2  }
0xb9: {  	s3 =	sand.u32 $0x4000, s31;
	s1 =	sadd.s32 s1, s30  }
0xba: {  	s0 =	sor.u32 s3, s0;
	s1 =	sshll.u32 s1, $0x11  }
0xbb: {  	s0 =	sor.u32 s1, s0  }
0xbc: {  	s0 =	sadd.s32 $0x8F2B, s0  }
0xbd: {  	[sflag:s0] =	ssyncadd.remote.s32 $0x1  }
0xbe: {  	_ =	sfence.sel $0xFFFF  }
0xbf: {  	[dreg:$0x0] =	wrdreg $0xFFFFFFFF;
	(pc) =	sbr.abs _section_cstart, $3  }
0xc0: {  	[dreg:$0x1] =	wrdreg $0xFFFFFFFF  }
0xc1: {  	_ =	task.clear_ibuf [dreg:s7], $0x2FFFF;
	_ =	strace $0x9FFFFFFF  }
0xc2: {  	(tm) =	ssettm $0x7FFFFFFF  }
0xc3: {  	_ =	shalt  }
tec
execute0_lowered:
.L_overlay_start_1:
0x0: {  	(tag) =	ssettag $0x1  }
0x1: {  	s5 =	rddreg [dreg:$0x0]  }
0x2: {  	s2 =	rddreg [dreg:$0x1]  }
0x3: {  	s0 =	rddreg [dreg:$0x2];
	s3 =	simm.s32 $0x0;
	s4 =	srdreg.scid  }
0x4: {  	s1 =	stileid.u32;
	s15 =	simm.s32 $0x1;
	s16 =	simm.s32 $0x7800  }
0x5: {  	s17 =	simm.s32 $0x400;
	s18 =	simm.s32 $0xC3800;
	s19 =	simm.s32 $0xF000  }
0x6: {  	s20 =	simm.s32 $0x2;
	s21 =	simm.s32 $0x0;
	[smem:$0x7FF] =	sst s3  }
0x7: {  	s7 =	sand.u32 $0x1, s4;
	s28 =	sshll.u32 s1, $0x1;
	s12 =	smul.u32 $0xF000, s1  }
0x8: {  	s4 =	sadd.s32 $0x1B5600, s5;
	s10 =	sor.u32 s7, s28;
	s13 =	smul.u32 $0x7800, s7  }
0x9: {  	s5 =	sadd.s32 $0x491C00, s5;
	s6 =	ssub.s32 $0x2, s7;
	s8 =	smul.u32 $0xF00, s10  }
0xa: {  	_ =	strace $0x8000004A;
	s9 =	sshrl.u32 s6, $0x1;
	s11 =	smul.u32 $0x7800, s10  }
0xb: {  	s29 =	ssub.s32 $0x30C, s10;
	s14 =	sshll.u32 s10, $0x7;
	s9 =	ssub.s32 s6, s9  }
0xc: {  	s6 =	sshrl.u32 s29, $0x5;
	s31 =	sadd.s32 s13, s12;
	s10 =	sadd.s32 s2, s14  }
0xd: {  	s12 =	sor.u32 $0x1000, s14;
	s13 =	simm.s32 $0x1E000;
	s11 =	sshrl.u32 s11, $0x3  }
0xe: {  	s14 =	simm.s32 $0x3;
	s7 =	sadd.s32 s4, s8;
	s30 =	sadd.s32 s4, s11  }
0xf: {  	s8 =	smax.u32 s9, $0x1;
	s11 =	sadd.s32 $0x1E0000, s31;
	s9 =	sadd.s32 $0x1E000, s30  }
.LBB2_1:
0x10: {  	[tilespmem:s13], [sflag:$0x3] =	stream.linear.gather [hbm4b:s5+s3], $0x100, $0x38;
	[tilespmem:$0x1E100] =	vst v63  }
0x11: {  	_ =	swait.ge [sflag:s14], $0x100  }
0x12: {  	[sflag:s14] =	ssyncset.done $0x0  }
0x13: {  	[sflag:s14] =	ssyncadd.s32 $0xFFFFFF00  }
0x14: {  	[tilespmem:s3], [sflag:$0x1] =	stream.linear.gather [hbm4b:s7+s3], $0x7800, $0x38;
	[tilespmem:$0x1E100] =	vst v63  }
0x15: {  	_ =	swait.ge [sflag:s15], $0x7800  }
0x16: {  	s22 =	simm.s32 $0x1;
	[sflag:s15] =	ssyncset.done $0x0  }
0x17: {  	p0 =	sle.u32 s6, $0x1;
	s23 =	sand.u32 $0x1, s22;
	[sflag:s15] =	ssyncadd.s32 $0xFFFF8800  }
0x18: {  	[tilespmem:s16], [sflag:$0x1] =	stream.linear.gather [hbm4b:s9+s3], $0x7800, $0x38;
	[tilespmem:$0x1E100] =	vst v63  }
0x19: {  	s24 =	sxor.u32 @!p0 $0x1, s23  }
0x1a: {  	[hbm4b:s10+s17] =	stream.strided.scatter [tilespmem:s19], [sflag:$0x2], $0x7800, s18, s17, $0x38;
	[tilespmem:$0x1E100] =	vst v63  }
0x1b: {  	s24 =	smul.u32 @!p0 $0x1E000, s24;
	_ =	swait.ge [sflag:s15], $0x7800  }
0x1c: {  	s25 =	sshrl.u32 @!p0 s11, $0x3;
	s26 =	simm.s32 @!p0 $0x0;
	[sflag:s15] =	ssyncset.done $0x0  }
0x1d: {  	s25 =	sadd.s32 @!p0 s4, s25;
	s24 =	sshrl.u32 @!p0 s24, $0x2;
	[sflag:s15] =	ssyncadd.s32 $0xFFFF8800  }
0x1e: {  	[tilespmem:s24], [sflag:$0x1] =	stream.linear.gather @!p0 [hbm4b:s25+s26], $0x7800, $0x38;
	[tilespmem:$0x1E100] =	vst v63  }
0x1f: {  	s23 =	smul.u32 $0x1E000, s23;
	p0 =	sne.s32 s6, $0x1  }
.Ltmp0:
0x20: {  	_ =	swait.ge [sflag:s20], $0x7800;
	(pc) =	sbr.rel @!p0 .LBB2_3-.Ltmp0, $4  }
0x21: {  	s31 =	sand.u32 $0x1FFFFF80, s12;
	s23 =	sshrl.u32 s23, $0x2;
	[sflag:s20] =	ssyncset.done $0x0  }
0x22: {  	s23 =	sadd.s32 $0xF000, s23;
	s24 =	sadd.s32 s2, s31;
	[sflag:s20] =	ssyncadd.s32 $0xFFFF8800  }
0x23: {  	[hbm4b:s24+s17] =	stream.strided.scatter [tilespmem:s23], [sflag:$0x2], $0x7800, s18, s17, $0x38;
	[tilespmem:$0x1E100] =	vst v63  }
0x24: {  	s23 =	smov.u32 s11;
	s24 =	smov.u32 s12  }
.LBB2_2:
0x25: {  	s22 =	sadd.s32 $0x1, s22;
	s23 =	sadd.s32 $0xF0000, s23;
	s24 =	sadd.s32 $0x1000, s24  }
0x26: {  	s25 =	sand.u32 $0x1, s22;
	p1 =	sge.u32 s22, s6;
	p0 =	sne.s32 s6, s22  }
0x27: {  	s26 =	sxor.u32 @!p1 $0x1, s25;
	s28 =	sshrl.u32 @!p1 s23, $0x3;
	s25 =	smul.u32 $0x1E000, s25  }
0x28: {  	_ =	swait.ge [sflag:s15], $0x7800;
	s26 =	smul.u32 @!p1 $0x1E000, s26;
	s28 =	sadd.s32 @!p1 s4, s28  }
0x29: {  	[sflag:s15] =	ssyncset.done $0x0;
	s25 =	sshrl.u32 s25, $0x2  }
0x2a: {  	s29 =	simm.s32 @!p1 $0x0;
	[sflag:s15] =	ssyncadd.s32 $0xFFFF8800;
	s26 =	sshrl.u32 @!p1 s26, $0x2  }
0x2b: {  	[tilespmem:s26], [sflag:$0x1] =	stream.linear.gather @!p1 [hbm4b:s28+s29], $0x7800, $0x38;
	[tilespmem:$0x1E100] =	vst v63  }
.Ltmp1:
0x2c: {  	_ = 	snop;
	(pc) =	sbr.rel @p0 .LBB2_2-.Ltmp1, $4  }
0x2d: {  	_ =	swait.ge [sflag:s20], $0x7800  }
0x2e: {  	s26 =	sand.u32 $0x1FFFFF80, s24;
	[sflag:s20] =	ssyncset.done $0x0  }
0x2f: {  	s25 =	sadd.s32 $0xF000, s25;
	s26 =	sadd.s32 s2, s26;
	[sflag:s20] =	ssyncadd.s32 $0xFFFF8800  }
0x30: {  	[hbm4b:s26+s17] =	stream.strided.scatter [tilespmem:s25], [sflag:$0x2], $0x7800, s18, s17, $0x38;
	[tilespmem:$0x1E100] =	vst v63  }
.LBB2_3:
0x31: {  	s21 =	sadd.s32 $0x1, s21  }
0x32: {  	p0 =	sne.s32 s21, s8  }
.Ltmp2:
0x33: {  	_ = 	snop;
	(pc) =	sbr.rel @p0 .LBB2_1-.Ltmp2, $4  }
0x34: {  	_ = 	snop  }
0x35: {  	_ =	swait.ge [sflag:s20], $0x7800  }
0x36: {  	[sflag:s20] =	ssyncset.done $0x0  }
0x37: {  	[sflag:s20] =	ssyncadd.s32 $0xFFFF8800  }
0x38: {  	_ =	sfence.sel $0x180000  }
0x39: {  	[bflag:$0x0] =	sbarrier.arrive $0xFFFF  }
0x3a: {  	p0 =	sne.s32 s1, $0x0;
	_ =	strace $0x9000004A  }
0x3b: {  	s0 =	sadd.s32 @!p0 $0x100000, s0;
	[bflag:$0x2] =	sbarrier.arrive $0xFFFF  }
0x3c: {  	[sflag:s0] =	ssyncadd.tile.s32 @!p0 $0x1;
	_ =	shalt  }
.Lfunc_end2:
_tile_overlayer_lowered:
.L_overlay_start_2:
0x3d: {  	(tag) =	ssettag $0x2  }
0x3e: {  	s0 =	rddreg [dreg:$0x0];
	s2 =	stileid.u32  }
0x3f: {  	s1 =	rddreg [dreg:$0x1];
	p0 =	sne.s32 s2, $0x0  }
0x40: {  	s3 =	rddreg [dreg:$0x2];
	[bflag:$0x3] =	sbarrier.arrive $0xFFFF;
	s2 =	simm.s32 @!p0 $0x1C03  }
0x41: {  	[timem:s3], [sflag:s2] =	dma.local @!p0 [hbm:s0], s1  }
0x42: {  	s0 =	simm.s32 @!p0 $0x3  }
0x43: {  	_ =	swait.ge @!p0 [sflag:s0], s1  }
0x44: {  	s1 =	ssub.s32 @!p0 $0x0, s1;
	[sflag:s0] =	ssyncset.done @!p0 $0x0  }
0x45: {  	[sflag:s0] =	ssyncadd.s32 @!p0 s1  }
0x46: {  	[bflag:$0x3] =	sbarrier.arrive $0xFFFF  }
0x47: {  	_ =	shalt  }

</sc_bundles>
